<compile_context>
chip_gen: v7x
topology: tpu7x:2x2x1
jax: 0.10.2.dev20260603
libtpu: 0.0.44.dev20260713+nightly
codegen_flags: <defaults>
</compile_context>

<pallas_src>
import functools

import jax
import jax.numpy as jnp
from jax import lax
from jax.experimental import pallas as pl
from jax.experimental.pallas import tpu as pltpu
from jax.experimental.pallas import tpu_sc as plsc

_HIDDEN = 128
_N_NODES = 10000
_N_EDGES = 320000

_NC = 2
_NS = 16
_NW = _NC * _NS
_EPW = _N_EDGES // _NW
_BB = 200
_NBLK = _EPW // _BB
_CHUNKS = ((0, 104), (104, 96))
_GROUPS = (_BB + 15) // 16
_DEPTH = 2


def _zw_body(z_ref, w_ref, out_ref):
    w = w_ref[...]
    out_ref[...] = (
        jnp.dot(z_ref[...], w, preferred_element_type=jnp.float32)
        + lax.dot_general(z_ref[...], w, (((1,), (1,)), ((), ())),
                          preferred_element_type=jnp.float32)
    )


def _compute_zw(z, W):
    return pl.pallas_call(
        _zw_body,
        out_shape=jax.ShapeDtypeStruct((_N_NODES, _HIDDEN), jnp.float32),
    )(z, W)


def _sc_body(z_hbm, zw_hbm, src_hbm, dst_hbm, out_hbm,
             src_v, dst_v, a_v, b_v, o_v, *sems):
    wid = lax.axis_index("s") * _NC + lax.axis_index("c")
    base = wid * _EPW
    sem_g = sems[:_DEPTH]
    sem_h = sems[_DEPTH:2 * _DEPTH]
    sem_w = sems[2 * _DEPTH:]
    lane = lax.iota(jnp.int32, 16)

    pltpu.sync_copy(src_hbm.at[pl.ds(base, _EPW)], src_v)
    pltpu.sync_copy(dst_hbm.at[pl.ds(base, _EPW)], dst_v)

    def gather_descs(i, s):
        descs = []
        for tab, idxbuf, rowbuf, sem in ((z_hbm, src_v, a_v, sem_g),
                                         (zw_hbm, dst_v, b_v, sem_h)):
            for off, n in _CHUNKS:
                descs.append(pltpu.make_async_copy(
                    tab.at[idxbuf.at[pl.ds(i * _BB + off, n)]],
                    rowbuf.at[pl.ds(s * _BB + off, n)],
                    sem[s]))
        return descs

    def start_gathers(i, s):
        for d in gather_descs(i, s):
            d.start()

    def wait_gathers(i, s):
        for d in gather_descs(i, s):
            d.wait()

    def wb_desc(i, s):
        return pltpu.make_async_copy(
            o_v.at[pl.ds(s * (_GROUPS * 16), _BB)],
            out_hbm.at[pl.ds(base + i * _BB, _BB)],
            sem_w[s])

    def compute(i, s):
        def grp(g, c):
            row0 = s * _BB + g * 16

            def edge_k(k, vec):
                e = row0 + k
                prods = [a_v[e, pl.ds(j * 16, 16)] * b_v[e, pl.ds(j * 16, 16)]
                         for j in range(_HIDDEN // 16)]
                while len(prods) > 1:
                    prods = [prods[p] + prods[p + 1]
                             for p in range(0, len(prods), 2)]
                return jnp.where(lane == k, jnp.sum(prods[0]), vec)

            vec = lax.fori_loop(0, 16, edge_k, jnp.zeros((16,), jnp.float32),
                                unroll=4)
            o_v[pl.ds(s * (_GROUPS * 16) + g * 16, 16)] = (
                1.0 / (1.0 + jnp.exp(-vec)))
            return c

        lax.fori_loop(0, _GROUPS, grp, 0)

    def section(i, s):
        @pl.when(i < _NBLK)
        def _():
            @pl.when(i + _DEPTH - 1 < _NBLK)
            def _():
                start_gathers(i + _DEPTH - 1, (s + _DEPTH - 1) % _DEPTH)

            wait_gathers(i, s)

            @pl.when(i >= _DEPTH)
            def _():
                wb_desc(i, s).wait()

            compute(i, s)
            wb_desc(i, s).start()

    for s in range(_DEPTH - 1):
        start_gathers(s, s)

    def body(t, c):
        for s in range(_DEPTH):
            section(t * _DEPTH + s, s)
        return c

    lax.fori_loop(0, (_NBLK + _DEPTH - 1) // _DEPTH, body, 0)
    for s in range(_DEPTH):
        wb_desc(_NBLK - _DEPTH + s, s).wait()


@functools.partial(
    pl.kernel,
    out_type=jax.ShapeDtypeStruct((_N_EDGES,), jnp.float32),
    mesh=plsc.VectorSubcoreMesh(core_axis_name="c", subcore_axis_name="s"),
    compiler_params=pltpu.CompilerParams(needs_layout_passes=False),
    scratch_types=[
        pltpu.VMEM((_EPW,), jnp.int32),
        pltpu.VMEM((_EPW,), jnp.int32),
        pltpu.VMEM((_DEPTH * _BB + 8, _HIDDEN), jnp.float32),
        pltpu.VMEM((_DEPTH * _BB + 8, _HIDDEN), jnp.float32),
        pltpu.VMEM((_DEPTH * _GROUPS * 16,), jnp.float32),
    ] + [pltpu.SemaphoreType.DMA] * (3 * _DEPTH),
)
def _sc_score(z_hbm, zw_hbm, src_hbm, dst_hbm, out_hbm,
              src_v, dst_v, a_v, b_v, o_v, *sems):
    _sc_body(z_hbm, zw_hbm, src_hbm, dst_hbm, out_hbm,
             src_v, dst_v, a_v, b_v, o_v, *sems)


def kernel(z, edge_index, W):
    zw = _compute_zw(z, W)
    src = edge_index[0].astype(jnp.int32)
    dst = edge_index[1].astype(jnp.int32)
    return _sc_score(z, zw, src, dst)

# --- scband reference (transcript-rebuilt; emitter-appended) ---
"""Pipeline reference for scband-dist-mult-decoder-34041910788102 (READ-ONLY COPY).

The authoritative reference and input builder live on the scoring server;
editing this copy changes nothing except your own understanding.
"""

import jax, jax.numpy as jnp
import numpy as np

HIDDEN = 128
N_NODES = 10000
N_EDGES = 320000


def setup_inputs(seed: int = 0) -> dict:
    key = jax.random.key(seed)
    k_z, k_e, k_w = jax.random.split(key, 3)
    z = jax.random.normal(k_z, (N_NODES, HIDDEN), dtype=jnp.float32)
    edge_index = jax.random.randint(k_e, (2, N_EDGES), 0, N_NODES, dtype=jnp.int64)
    # xavier_uniform for weights[HIDDEN, HIDDEN]
    limit = float(np.sqrt(6.0 / (HIDDEN + HIDDEN)))
    W = jax.random.uniform(k_w, (HIDDEN, HIDDEN), dtype=jnp.float32, minval=-limit, maxval=limit)
    return {"z": z, "edge_index": edge_index, "W": W}


def reference(z, edge_index, W):
    # DistMultDecoder.forward with symm=True, sigmoid=True
    z_src = jnp.take(z, edge_index[0], axis=0)
    z_dst = jnp.take(z, edge_index[1], axis=0)
    W_eff = W + W.T  # symm=True
    int_val = jnp.matmul(W_eff, z_dst.T)  # [H, E]
    value = jnp.sum(z_src * int_val.T, axis=1)  # [E]
    return jax.nn.sigmoid(value)

if __name__ == "__main__":
    import jax
    _d = setup_inputs()
    print(jax.jit(kernel)(*tuple(_d.values())))

</pallas_src>

<mosaic_0001>
#map = affine_map<(d0, d1) -> (0, 0)>
#map1 = affine_map<(d0, d1) -> (0)>
module attributes {stable_mosaic.version = 14 : i64} {
  func.func @_sc_score(%arg0: i32, %arg1: i32, %arg2: memref<10000x128xf32, #tpu.memory_space<hbm>>, %arg3: memref<10000x128xf32, #tpu.memory_space<hbm>>, %arg4: memref<320000xi32, #tpu.memory_space<hbm>>, %arg5: memref<320000xi32, #tpu.memory_space<hbm>>, %arg6: memref<320000xf32, #tpu.memory_space<hbm>>, %arg7: memref<10000xi32, #tpu.memory_space<vmem>>, %arg8: memref<10000xi32, #tpu.memory_space<vmem>>, %arg9: memref<408x128xf32, #tpu.memory_space<vmem>>, %arg10: memref<408x128xf32, #tpu.memory_space<vmem>>, %arg11: memref<416xf32, #tpu.memory_space<vmem>>, %arg12: memref<!tpu.dma_semaphore, #tpu.memory_space<semaphore_mem>>, %arg13: memref<!tpu.dma_semaphore, #tpu.memory_space<semaphore_mem>>, %arg14: memref<!tpu.dma_semaphore, #tpu.memory_space<semaphore_mem>>, %arg15: memref<!tpu.dma_semaphore, #tpu.memory_space<semaphore_mem>>, %arg16: memref<!tpu.dma_semaphore, #tpu.memory_space<semaphore_mem>>, %arg17: memref<!tpu.dma_semaphore, #tpu.memory_space<semaphore_mem>>) attributes {dimension_semantics = [#tpu.dimension_semantics<core_parallel>, #tpu.dimension_semantics<subcore_parallel>], iteration_bounds = array<i64: 2, 16>, scalar_prefetch = 0 : i64, scratch_operands = 11 : i64, tpu.core_type = #tpu.core_type<sc_vector_subcore>, window_params = [{transform_indices = #map}, {transform_indices = #map}, {transform_indices = #map1}, {transform_indices = #map1}, {transform_indices = #map1}]} {
    %mul3A = arith.constant 2 : i32
    %mul3A_0 = arith.muli %arg1, %mul3A : i32
    %add3A = arith.addi %mul3A_0, %arg0 : i32
    %mul3A_1 = arith.constant 10000 : i32
    %mul3A_2 = arith.muli %add3A, %mul3A_1 : i32
    %iota3A = tpu.iota {dimensions = array<i32: 0>} : vector<16xi32>
    "tpu.region"() ({
      %run_scoped3A = tpu.sem_alloc : memref<!tpu.dma_semaphore, #tpu.memory_space<semaphore_mem>>
      %dma_start3A_54 = tpu.memref_slice %arg4[%mul3A_2] : memref<320000xi32, #tpu.memory_space<hbm>> -> memref<10000xi32, #tpu.memory_space<hbm>>
      %dma_start3A_55 = tpu.memref_slice %arg4[%mul3A_2] : memref<320000xi32, #tpu.memory_space<hbm>> -> memref<10000xi32, #tpu.memory_space<hbm>>
      tpu.enqueue_dma source(%dma_start3A_55 : memref<10000xi32, #tpu.memory_space<hbm>>) target(%arg7 : memref<10000xi32, #tpu.memory_space<vmem>>) target_semaphore(%run_scoped3A : memref<!tpu.dma_semaphore, #tpu.memory_space<semaphore_mem>>)
      %dma_wait3A_56 = tpu.memref_slice %arg4[%mul3A_2] : memref<320000xi32, #tpu.memory_space<hbm>> -> memref<10000xi32, #tpu.memory_space<hbm>>
      %dma_wait3A_57 = tpu.memref_slice %arg4[%mul3A_2] : memref<320000xi32, #tpu.memory_space<hbm>> -> memref<10000xi32, #tpu.memory_space<hbm>>
      tpu.wait_dma2 semaphore(%run_scoped3A : memref<!tpu.dma_semaphore, #tpu.memory_space<semaphore_mem>>) src(%dma_wait3A_57 : memref<10000xi32, #tpu.memory_space<hbm>>) dst(%arg7 : memref<10000xi32, #tpu.memory_space<vmem>>)
      tpu.yield
    }) : () -> ()
    "tpu.region"() ({
      %run_scoped3A = tpu.sem_alloc : memref<!tpu.dma_semaphore, #tpu.memory_space<semaphore_mem>>
      %dma_start3A_54 = tpu.memref_slice %arg5[%mul3A_2] : memref<320000xi32, #tpu.memory_space<hbm>> -> memref<10000xi32, #tpu.memory_space<hbm>>
      %dma_start3A_55 = tpu.memref_slice %arg5[%mul3A_2] : memref<320000xi32, #tpu.memory_space<hbm>> -> memref<10000xi32, #tpu.memory_space<hbm>>
      tpu.enqueue_dma source(%dma_start3A_55 : memref<10000xi32, #tpu.memory_space<hbm>>) target(%arg8 : memref<10000xi32, #tpu.memory_space<vmem>>) target_semaphore(%run_scoped3A : memref<!tpu.dma_semaphore, #tpu.memory_space<semaphore_mem>>)
      %dma_wait3A_56 = tpu.memref_slice %arg5[%mul3A_2] : memref<320000xi32, #tpu.memory_space<hbm>> -> memref<10000xi32, #tpu.memory_space<hbm>>
      %dma_wait3A_57 = tpu.memref_slice %arg5[%mul3A_2] : memref<320000xi32, #tpu.memory_space<hbm>> -> memref<10000xi32, #tpu.memory_space<hbm>>
      tpu.wait_dma2 semaphore(%run_scoped3A : memref<!tpu.dma_semaphore, #tpu.memory_space<semaphore_mem>>) src(%dma_wait3A_57 : memref<10000xi32, #tpu.memory_space<hbm>>) dst(%arg8 : memref<10000xi32, #tpu.memory_space<vmem>>)
      tpu.yield
    }) : () -> ()
    %dma_start3A = arith.constant 0 : i32
    %dma_start3A_3 = arith.constant 0 : i32
    %dma_start3A_4 = tpu.memref_slice %arg9[%dma_start3A, %dma_start3A_3] : memref<408x128xf32, #tpu.memory_space<vmem>> -> memref<104x128xf32, #tpu.memory_space<vmem>>
    %dma_start3A_5 = arith.constant 0 : i32
    %dma_start3A_6 = tpu.memref_slice %arg7[%dma_start3A_5] : memref<10000xi32, #tpu.memory_space<vmem>> -> memref<104xi32, #tpu.memory_space<vmem>>
    %dma_start3A_7 = arith.constant 0 : i32
    %dma_start3A_8 = arith.constant 0 : i32
    %dma_start3A_9 = tpu.memref_slice %arg2[%dma_start3A_7, %dma_start3A_8] : memref<10000x128xf32, #tpu.memory_space<hbm>> -> memref<10000x128xf32, #tpu.memory_space<hbm>>
    tpu.enqueue_indirect_dma source(%dma_start3A_9 : memref<10000x128xf32, #tpu.memory_space<hbm>>) target(%dma_start3A_4 : memref<104x128xf32, #tpu.memory_space<vmem>>) offsets(%dma_start3A_6 : memref<104xi32, #tpu.memory_space<vmem>>) semaphore(%arg12 : memref<!tpu.dma_semaphore, #tpu.memory_space<semaphore_mem>>)
    %dma_start3A_10 = arith.constant 104 : i32
    %dma_start3A_11 = arith.constant 0 : i32
    %dma_start3A_12 = tpu.memref_slice %arg9[%dma_start3A_10, %dma_start3A_11] : memref<408x128xf32, #tpu.memory_space<vmem>> -> memref<96x128xf32, #tpu.memory_space<vmem>>
    %dma_start3A_13 = arith.constant 104 : i32
    %dma_start3A_14 = tpu.memref_slice %arg7[%dma_start3A_13] : memref<10000xi32, #tpu.memory_space<vmem>> -> memref<96xi32, #tpu.memory_space<vmem>>
    %dma_start3A_15 = arith.constant 0 : i32
    %dma_start3A_16 = arith.constant 0 : i32
    %dma_start3A_17 = tpu.memref_slice %arg2[%dma_start3A_15, %dma_start3A_16] : memref<10000x128xf32, #tpu.memory_space<hbm>> -> memref<10000x128xf32, #tpu.memory_space<hbm>>
    tpu.enqueue_indirect_dma source(%dma_start3A_17 : memref<10000x128xf32, #tpu.memory_space<hbm>>) target(%dma_start3A_12 : memref<96x128xf32, #tpu.memory_space<vmem>>) offsets(%dma_start3A_14 : memref<96xi32, #tpu.memory_space<vmem>>) semaphore(%arg12 : memref<!tpu.dma_semaphore, #tpu.memory_space<semaphore_mem>>)
    %dma_start3A_18 = arith.constant 0 : i32
    %dma_start3A_19 = arith.constant 0 : i32
    %dma_start3A_20 = tpu.memref_slice %arg10[%dma_start3A_18, %dma_start3A_19] : memref<408x128xf32, #tpu.memory_space<vmem>> -> memref<104x128xf32, #tpu.memory_space<vmem>>
    %dma_start3A_21 = arith.constant 0 : i32
    %dma_start3A_22 = tpu.memref_slice %arg8[%dma_start3A_21] : memref<10000xi32, #tpu.memory_space<vmem>> -> memref<104xi32, #tpu.memory_space<vmem>>
    %dma_start3A_23 = arith.constant 0 : i32
    %dma_start3A_24 = arith.constant 0 : i32
    %dma_start3A_25 = tpu.memref_slice %arg3[%dma_start3A_23, %dma_start3A_24] : memref<10000x128xf32, #tpu.memory_space<hbm>> -> memref<10000x128xf32, #tpu.memory_space<hbm>>
    tpu.enqueue_indirect_dma source(%dma_start3A_25 : memref<10000x128xf32, #tpu.memory_space<hbm>>) target(%dma_start3A_20 : memref<104x128xf32, #tpu.memory_space<vmem>>) offsets(%dma_start3A_22 : memref<104xi32, #tpu.memory_space<vmem>>) semaphore(%arg14 : memref<!tpu.dma_semaphore, #tpu.memory_space<semaphore_mem>>)
    %dma_start3A_26 = arith.constant 104 : i32
    %dma_start3A_27 = arith.constant 0 : i32
    %dma_start3A_28 = tpu.memref_slice %arg10[%dma_start3A_26, %dma_start3A_27] : memref<408x128xf32, #tpu.memory_space<vmem>> -> memref<96x128xf32, #tpu.memory_space<vmem>>
    %dma_start3A_29 = arith.constant 104 : i32
    %dma_start3A_30 = tpu.memref_slice %arg8[%dma_start3A_29] : memref<10000xi32, #tpu.memory_space<vmem>> -> memref<96xi32, #tpu.memory_space<vmem>>
    %dma_start3A_31 = arith.constant 0 : i32
    %dma_start3A_32 = arith.constant 0 : i32
    %dma_start3A_33 = tpu.memref_slice %arg3[%dma_start3A_31, %dma_start3A_32] : memref<10000x128xf32, #tpu.memory_space<hbm>> -> memref<10000x128xf32, #tpu.memory_space<hbm>>
    tpu.enqueue_indirect_dma source(%dma_start3A_33 : memref<10000x128xf32, #tpu.memory_space<hbm>>) target(%dma_start3A_28 : memref<96x128xf32, #tpu.memory_space<vmem>>) offsets(%dma_start3A_30 : memref<96xi32, #tpu.memory_space<vmem>>) semaphore(%arg14 : memref<!tpu.dma_semaphore, #tpu.memory_space<semaphore_mem>>)
    %scan3A = arith.constant 0 : i32
    %scan3A_34 = arith.constant 0 : i32
    %scan3A_35 = arith.constant 25 : i32
    %scan3A_36 = arith.addi %scan3A_34, %scan3A_35 : i32
    %scan3A_37 = arith.constant 1 : i32
    scf.for %scan3A_54 = %scan3A_34 to %scan3A_36 step %scan3A_37  : i32 {
      %mul3A_55 = arith.constant 2 : i32
      %mul3A_56 = arith.muli %scan3A_54, %mul3A_55 : i32
      %add3A_57 = arith.constant 0 : i32
      %add3A_58 = arith.addi %mul3A_56, %add3A_57 : i32
      %lt3A = arith.constant 50 : i32
      %lt3A_59 = arith.cmpi slt, %add3A_58, %lt3A : i32
      %convert_element_type3A = arith.extui %lt3A_59 : i1 to i32
      %cond3A = arith.constant 0 : i32
      %cond3A_60 = arith.cmpi ne, %convert_element_type3A, %cond3A : i32
      scf.if %cond3A_60 {
        %add3A_70 = arith.constant 2 : i32
        %add3A_71 = arith.addi %add3A_58, %add3A_70 : i32
        %sub3A = arith.constant 1 : i32
        %sub3A_72 = arith.subi %add3A_71, %sub3A : i32
        %lt3A_73 = arith.constant 50 : i32
        %lt3A_74 = arith.cmpi slt, %sub3A_72, %lt3A_73 : i32
        %convert_element_type3A_75 = arith.extui %lt3A_74 : i1 to i32
        %cond3A_76 = arith.constant 0 : i32
        %cond3A_77 = arith.cmpi ne, %convert_element_type3A_75, %cond3A_76 : i32
        scf.if %cond3A_77 {
          %add3A_141 = arith.constant 2 : i32
          %add3A_142 = arith.addi %add3A_58, %add3A_141 : i32
          %sub3A_143 = arith.constant 1 : i32
          %sub3A_144 = arith.subi %add3A_142, %sub3A_143 : i32
          %mul3A_145 = arith.constant 200 : i32
          %mul3A_146 = arith.muli %sub3A_144, %mul3A_145 : i32
          %add3A_147 = arith.constant 0 : i32
          %add3A_148 = arith.addi %mul3A_146, %add3A_147 : i32
          %mul3A_149 = arith.constant 200 : i32
          %mul3A_150 = arith.muli %sub3A_144, %mul3A_149 : i32
          %add3A_151 = arith.constant 104 : i32
          %add3A_152 = arith.addi %mul3A_150, %add3A_151 : i32
          %mul3A_153 = arith.constant 200 : i32
          %mul3A_154 = arith.muli %sub3A_144, %mul3A_153 : i32
          %add3A_155 = arith.constant 0 : i32
          %add3A_156 = arith.addi %mul3A_154, %add3A_155 : i32
          %mul3A_157 = arith.constant 200 : i32
          %mul3A_158 = arith.muli %sub3A_144, %mul3A_157 : i32
          %add3A_159 = arith.constant 104 : i32
          %add3A_160 = arith.addi %mul3A_158, %add3A_159 : i32
          %dma_start3A_161 = arith.constant 200 : i32
          %dma_start3A_162 = arith.constant 0 : i32
          %dma_start3A_163 = tpu.memref_slice %arg9[%dma_start3A_161, %dma_start3A_162] : memref<408x128xf32, #tpu.memory_space<vmem>> -> memref<104x128xf32, #tpu.memory_space<vmem>>
          %dma_start3A_164 = tpu.memref_slice %arg7[%add3A_148] : memref<10000xi32, #tpu.memory_space<vmem>> -> memref<104xi32, #tpu.memory_space<vmem>>
          %dma_start3A_165 = arith.constant 0 : i32
          %dma_start3A_166 = arith.constant 0 : i32
          %dma_start3A_167 = tpu.memref_slice %arg2[%dma_start3A_165, %dma_start3A_166] : memref<10000x128xf32, #tpu.memory_space<hbm>> -> memref<10000x128xf32, #tpu.memory_space<hbm>>
          tpu.enqueue_indirect_dma source(%dma_start3A_167 : memref<10000x128xf32, #tpu.memory_space<hbm>>) target(%dma_start3A_163 : memref<104x128xf32, #tpu.memory_space<vmem>>) offsets(%dma_start3A_164 : memref<104xi32, #tpu.memory_space<vmem>>) semaphore(%arg13 : memref<!tpu.dma_semaphore, #tpu.memory_space<semaphore_mem>>)
          %dma_start3A_168 = arith.constant 304 : i32
          %dma_start3A_169 = arith.constant 0 : i32
          %dma_start3A_170 = tpu.memref_slice %arg9[%dma_start3A_168, %dma_start3A_169] : memref<408x128xf32, #tpu.memory_space<vmem>> -> memref<96x128xf32, #tpu.memory_space<vmem>>
          %dma_start3A_171 = tpu.memref_slice %arg7[%add3A_152] : memref<10000xi32, #tpu.memory_space<vmem>> -> memref<96xi32, #tpu.memory_space<vmem>>
          %dma_start3A_172 = arith.constant 0 : i32
          %dma_start3A_173 = arith.constant 0 : i32
          %dma_start3A_174 = tpu.memref_slice %arg2[%dma_start3A_172, %dma_start3A_173] : memref<10000x128xf32, #tpu.memory_space<hbm>> -> memref<10000x128xf32, #tpu.memory_space<hbm>>
          tpu.enqueue_indirect_dma source(%dma_start3A_174 : memref<10000x128xf32, #tpu.memory_space<hbm>>) target(%dma_start3A_170 : memref<96x128xf32, #tpu.memory_space<vmem>>) offsets(%dma_start3A_171 : memref<96xi32, #tpu.memory_space<vmem>>) semaphore(%arg13 : memref<!tpu.dma_semaphore, #tpu.memory_space<semaphore_mem>>)
          %dma_start3A_175 = arith.constant 200 : i32
          %dma_start3A_176 = arith.constant 0 : i32
          %dma_start3A_177 = tpu.memref_slice %arg10[%dma_start3A_175, %dma_start3A_176] : memref<408x128xf32, #tpu.memory_space<vmem>> -> memref<104x128xf32, #tpu.memory_space<vmem>>
          %dma_start3A_178 = tpu.memref_slice %arg8[%add3A_156] : memref<10000xi32, #tpu.memory_space<vmem>> -> memref<104xi32, #tpu.memory_space<vmem>>
          %dma_start3A_179 = arith.constant 0 : i32
          %dma_start3A_180 = arith.constant 0 : i32
          %dma_start3A_181 = tpu.memref_slice %arg3[%dma_start3A_179, %dma_start3A_180] : memref<10000x128xf32, #tpu.memory_space<hbm>> -> memref<10000x128xf32, #tpu.memory_space<hbm>>
          tpu.enqueue_indirect_dma source(%dma_start3A_181 : memref<10000x128xf32, #tpu.memory_space<hbm>>) target(%dma_start3A_177 : memref<104x128xf32, #tpu.memory_space<vmem>>) offsets(%dma_start3A_178 : memref<104xi32, #tpu.memory_space<vmem>>) semaphore(%arg15 : memref<!tpu.dma_semaphore, #tpu.memory_space<semaphore_mem>>)
          %dma_start3A_182 = arith.constant 304 : i32
          %dma_start3A_183 = arith.constant 0 : i32
          %dma_start3A_184 = tpu.memref_slice %arg10[%dma_start3A_182, %dma_start3A_183] : memref<408x128xf32, #tpu.memory_space<vmem>> -> memref<96x128xf32, #tpu.memory_space<vmem>>
          %dma_start3A_185 = tpu.memref_slice %arg8[%add3A_160] : memref<10000xi32, #tpu.memory_space<vmem>> -> memref<96xi32, #tpu.memory_space<vmem>>
          %dma_start3A_186 = arith.constant 0 : i32
          %dma_start3A_187 = arith.constant 0 : i32
          %dma_start3A_188 = tpu.memref_slice %arg3[%dma_start3A_186, %dma_start3A_187] : memref<10000x128xf32, #tpu.memory_space<hbm>> -> memref<10000x128xf32, #tpu.memory_space<hbm>>
          tpu.enqueue_indirect_dma source(%dma_start3A_188 : memref<10000x128xf32, #tpu.memory_space<hbm>>) target(%dma_start3A_184 : memref<96x128xf32, #tpu.memory_space<vmem>>) offsets(%dma_start3A_185 : memref<96xi32, #tpu.memory_space<vmem>>) semaphore(%arg15 : memref<!tpu.dma_semaphore, #tpu.memory_space<semaphore_mem>>)
        } else {
        }
        %mul3A_78 = arith.constant 200 : i32
        %mul3A_79 = arith.muli %add3A_58, %mul3A_78 : i32
        %add3A_80 = arith.constant 0 : i32
        %add3A_81 = arith.addi %mul3A_79, %add3A_80 : i32
        %mul3A_82 = arith.constant 200 : i32
        %mul3A_83 = arith.muli %add3A_58, %mul3A_82 : i32
        %add3A_84 = arith.constant 104 : i32
        %add3A_85 = arith.addi %mul3A_83, %add3A_84 : i32
        %mul3A_86 = arith.constant 200 : i32
        %mul3A_87 = arith.muli %add3A_58, %mul3A_86 : i32
        %add3A_88 = arith.constant 0 : i32
        %add3A_89 = arith.addi %mul3A_87, %add3A_88 : i32
        %mul3A_90 = arith.constant 200 : i32
        %mul3A_91 = arith.muli %add3A_58, %mul3A_90 : i32
        %add3A_92 = arith.constant 104 : i32
        %add3A_93 = arith.addi %mul3A_91, %add3A_92 : i32
        %dma_wait3A_94 = arith.constant 0 : i32
        %dma_wait3A_95 = arith.constant 0 : i32
        %dma_wait3A_96 = tpu.memref_slice %arg9[%dma_wait3A_94, %dma_wait3A_95] : memref<408x128xf32, #tpu.memory_space<vmem>> -> memref<104x128xf32, #tpu.memory_space<vmem>>
        %dma_wait3A_97 = tpu.memref_slice %arg7[%add3A_81] : memref<10000xi32, #tpu.memory_space<vmem>> -> memref<104xi32, #tpu.memory_space<vmem>>
        %dma_wait3A_98 = arith.constant 0 : i32
        %dma_wait3A_99 = arith.constant 0 : i32
        %dma_wait3A_100 = tpu.memref_slice %arg2[%dma_wait3A_98, %dma_wait3A_99] : memref<10000x128xf32, #tpu.memory_space<hbm>> -> memref<10000x128xf32, #tpu.memory_space<hbm>>
        tpu.wait_indirect_dma semaphore(%arg12 : memref<!tpu.dma_semaphore, #tpu.memory_space<semaphore_mem>>) src(%dma_wait3A_100 : memref<10000x128xf32, #tpu.memory_space<hbm>>) dst(%dma_wait3A_96 : memref<104x128xf32, #tpu.memory_space<vmem>>)
        %dma_wait3A_101 = arith.constant 104 : i32
        %dma_wait3A_102 = arith.constant 0 : i32
        %dma_wait3A_103 = tpu.memref_slice %arg9[%dma_wait3A_101, %dma_wait3A_102] : memref<408x128xf32, #tpu.memory_space<vmem>> -> memref<96x128xf32, #tpu.memory_space<vmem>>
        %dma_wait3A_104 = tpu.memref_slice %arg7[%add3A_85] : memref<10000xi32, #tpu.memory_space<vmem>> -> memref<96xi32, #tpu.memory_space<vmem>>
        %dma_wait3A_105 = arith.constant 0 : i32
        %dma_wait3A_106 = arith.constant 0 : i32
        %dma_wait3A_107 = tpu.memref_slice %arg2[%dma_wait3A_105, %dma_wait3A_106] : memref<10000x128xf32, #tpu.memory_space<hbm>> -> memref<10000x128xf32, #tpu.memory_space<hbm>>
        tpu.wait_indirect_dma semaphore(%arg12 : memref<!tpu.dma_semaphore, #tpu.memory_space<semaphore_mem>>) src(%dma_wait3A_107 : memref<10000x128xf32, #tpu.memory_space<hbm>>) dst(%dma_wait3A_103 : memref<96x128xf32, #tpu.memory_space<vmem>>)
        %dma_wait3A_108 = arith.constant 0 : i32
        %dma_wait3A_109 = arith.constant 0 : i32
        %dma_wait3A_110 = tpu.memref_slice %arg10[%dma_wait3A_108, %dma_wait3A_109] : memref<408x128xf32, #tpu.memory_space<vmem>> -> memref<104x128xf32, #tpu.memory_space<vmem>>
        %dma_wait3A_111 = tpu.memref_slice %arg8[%add3A_89] : memref<10000xi32, #tpu.memory_space<vmem>> -> memref<104xi32, #tpu.memory_space<vmem>>
        %dma_wait3A_112 = arith.constant 0 : i32
        %dma_wait3A_113 = arith.constant 0 : i32
        %dma_wait3A_114 = tpu.memref_slice %arg3[%dma_wait3A_112, %dma_wait3A_113] : memref<10000x128xf32, #tpu.memory_space<hbm>> -> memref<10000x128xf32, #tpu.memory_space<hbm>>
        tpu.wait_indirect_dma semaphore(%arg14 : memref<!tpu.dma_semaphore, #tpu.memory_space<semaphore_mem>>) src(%dma_wait3A_114 : memref<10000x128xf32, #tpu.memory_space<hbm>>) dst(%dma_wait3A_110 : memref<104x128xf32, #tpu.memory_space<vmem>>)
        %dma_wait3A_115 = arith.constant 104 : i32
        %dma_wait3A_116 = arith.constant 0 : i32
        %dma_wait3A_117 = tpu.memref_slice %arg10[%dma_wait3A_115, %dma_wait3A_116] : memref<408x128xf32, #tpu.memory_space<vmem>> -> memref<96x128xf32, #tpu.memory_space<vmem>>
        %dma_wait3A_118 = tpu.memref_slice %arg8[%add3A_93] : memref<10000xi32, #tpu.memory_space<vmem>> -> memref<96xi32, #tpu.memory_space<vmem>>
        %dma_wait3A_119 = arith.constant 0 : i32
        %dma_wait3A_120 = arith.constant 0 : i32
        %dma_wait3A_121 = tpu.memref_slice %arg3[%dma_wait3A_119, %dma_wait3A_120] : memref<10000x128xf32, #tpu.memory_space<hbm>> -> memref<10000x128xf32, #tpu.memory_space<hbm>>
        tpu.wait_indirect_dma semaphore(%arg14 : memref<!tpu.dma_semaphore, #tpu.memory_space<semaphore_mem>>) src(%dma_wait3A_121 : memref<10000x128xf32, #tpu.memory_space<hbm>>) dst(%dma_wait3A_117 : memref<96x128xf32, #tpu.memory_space<vmem>>)
        %ge3A = arith.constant 2 : i32
        %ge3A_122 = arith.cmpi sge, %add3A_58, %ge3A : i32
        %convert_element_type3A_123 = arith.extui %ge3A_122 : i1 to i32
        %cond3A_124 = arith.constant 0 : i32
        %cond3A_125 = arith.cmpi ne, %convert_element_type3A_123, %cond3A_124 : i32
        scf.if %cond3A_125 {
          %mul3A_141 = arith.constant 200 : i32
          %mul3A_142 = arith.muli %add3A_58, %mul3A_141 : i32
          %add3A_143 = arith.addi %mul3A_2, %mul3A_142 : i32
          %dma_wait3A_144 = arith.constant 0 : i32
          %dma_wait3A_145 = tpu.memref_slice %arg11[%dma_wait3A_144] : memref<416xf32, #tpu.memory_space<vmem>> -> memref<200xf32, #tpu.memory_space<vmem>>
          %dma_wait3A_146 = tpu.memref_slice %arg6[%add3A_143] : memref<320000xf32, #tpu.memory_space<hbm>> -> memref<200xf32, #tpu.memory_space<hbm>>
          %dma_wait3A_147 = tpu.memref_slice %arg6[%add3A_143] : memref<320000xf32, #tpu.memory_space<hbm>> -> memref<200xf32, #tpu.memory_space<hbm>>
          %dma_wait3A_148 = arith.constant 0 : i32
          %dma_wait3A_149 = tpu.memref_slice %arg11[%dma_wait3A_148] : memref<416xf32, #tpu.memory_space<vmem>> -> memref<200xf32, #tpu.memory_space<vmem>>
          tpu.wait_dma2 semaphore(%arg16 : memref<!tpu.dma_semaphore, #tpu.memory_space<semaphore_mem>>) src(%dma_wait3A_149 : memref<200xf32, #tpu.memory_space<vmem>>) dst(%dma_wait3A_147 : memref<200xf32, #tpu.memory_space<hbm>>)
        } else {
        }
        %scan3A_126 = arith.constant 0 : i32
        %scan3A_127 = arith.constant 0 : i32
        %scan3A_128 = arith.constant 13 : i32
        %scan3A_129 = arith.addi %scan3A_127, %scan3A_128 : i32
        %scan3A_130 = arith.constant 1 : i32
        scf.for %scan3A_141 = %scan3A_127 to %scan3A_129 step %scan3A_130  : i32 {
          %mul3A_142 = arith.constant 16 : i32
          %mul3A_143 = arith.muli %scan3A_141, %mul3A_142 : i32
          %add3A_144 = arith.constant 0 : i32
          %add3A_145 = arith.addi %add3A_144, %mul3A_143 : i32
          %broadcast_in_dim3A = arith.constant 0.000000e+00 : f32
          %broadcast_in_dim3A_146 = vector.broadcast %broadcast_in_dim3A : f32 to vector<16xf32>
          %scan3A_147 = arith.constant 0 : i32
          %scan3A_148 = arith.constant 16 : i32
          %scan3A_149 = arith.addi %scan3A_147, %scan3A_148 : i32
          %scan3A_150 = arith.constant 4 : i32
          %scan3A_151 = scf.for %scan3A_165 = %scan3A_147 to %scan3A_149 step %scan3A_150 iter_args(%scan3A_166 = %broadcast_in_dim3A_146) -> (vector<16xf32>)  : i32 {
            %add3A_167 = arith.addi %add3A_145, %scan3A_165 : i32
            %get3A = arith.index_cast %add3A_167 : i32 to index
            %get3A_168 = arith.constant 0 : index
            %get3A_169 = tpu.vector_load %arg9[%get3A, %get3A_168] {strides = array<i32>} : memref<408x128xf32, #tpu.memory_space<vmem>>, vector<16xf32>,
            %get3A_170 = arith.index_cast %add3A_167 : i32 to index
            %get3A_171 = arith.constant 0 : index
            %get3A_172 = tpu.vector_load %arg10[%get3A_170, %get3A_171] {strides = array<i32>} : memref<408x128xf32, #tpu.memory_space<vmem>>, vector<16xf32>,
            %mul3A_173 = arith.mulf %get3A_169, %get3A_172 : vector<16xf32>
            %get3A_174 = arith.index_cast %add3A_167 : i32 to index
            %get3A_175 = arith.constant 16 : index
            %get3A_176 = tpu.vector_load %arg9[%get3A_174, %get3A_175] {strides = array<i32>} : memref<408x128xf32, #tpu.memory_space<vmem>>, vector<16xf32>,
            %get3A_177 = arith.index_cast %add3A_167 : i32 to index
            %get3A_178 = arith.constant 16 : index
            %get3A_179 = tpu.vector_load %arg10[%get3A_177, %get3A_178] {strides = array<i32>} : memref<408x128xf32, #tpu.memory_space<vmem>>, vector<16xf32>,
            %mul3A_180 = arith.mulf %get3A_176, %get3A_179 : vector<16xf32>
            %get3A_181 = arith.index_cast %add3A_167 : i32 to index
            %get3A_182 = arith.constant 32 : index
            %get3A_183 = tpu.vector_load %arg9[%get3A_181, %get3A_182] {strides = array<i32>} : memref<408x128xf32, #tpu.memory_space<vmem>>, vector<16xf32>,
            %get3A_184 = arith.index_cast %add3A_167 : i32 to index
            %get3A_185 = arith.constant 32 : index
            %get3A_186 = tpu.vector_load %arg10[%get3A_184, %get3A_185] {strides = array<i32>} : memref<408x128xf32, #tpu.memory_space<vmem>>, vector<16xf32>,
            %mul3A_187 = arith.mulf %get3A_183, %get3A_186 : vector<16xf32>
            %get3A_188 = arith.index_cast %add3A_167 : i32 to index
            %get3A_189 = arith.constant 48 : index
            %get3A_190 = tpu.vector_load %arg9[%get3A_188, %get3A_189] {strides = array<i32>} : memref<408x128xf32, #tpu.memory_space<vmem>>, vector<16xf32>,
            %get3A_191 = arith.index_cast %add3A_167 : i32 to index
            %get3A_192 = arith.constant 48 : index
            %get3A_193 = tpu.vector_load %arg10[%get3A_191, %get3A_192] {strides = array<i32>} : memref<408x128xf32, #tpu.memory_space<vmem>>, vector<16xf32>,
            %mul3A_194 = arith.mulf %get3A_190, %get3A_193 : vector<16xf32>
            %get3A_195 = arith.index_cast %add3A_167 : i32 to index
            %get3A_196 = arith.constant 64 : index
            %get3A_197 = tpu.vector_load %arg9[%get3A_195, %get3A_196] {strides = array<i32>} : memref<408x128xf32, #tpu.memory_space<vmem>>, vector<16xf32>,
            %get3A_198 = arith.index_cast %add3A_167 : i32 to index
            %get3A_199 = arith.constant 64 : index
            %get3A_200 = tpu.vector_load %arg10[%get3A_198, %get3A_199] {strides = array<i32>} : memref<408x128xf32, #tpu.memory_space<vmem>>, vector<16xf32>,
            %mul3A_201 = arith.mulf %get3A_197, %get3A_200 : vector<16xf32>
            %get3A_202 = arith.index_cast %add3A_167 : i32 to index
            %get3A_203 = arith.constant 80 : index
            %get3A_204 = tpu.vector_load %arg9[%get3A_202, %get3A_203] {strides = array<i32>} : memref<408x128xf32, #tpu.memory_space<vmem>>, vector<16xf32>,
            %get3A_205 = arith.index_cast %add3A_167 : i32 to index
            %get3A_206 = arith.constant 80 : index
            %get3A_207 = tpu.vector_load %arg10[%get3A_205, %get3A_206] {strides = array<i32>} : memref<408x128xf32, #tpu.memory_space<vmem>>, vector<16xf32>,
            %mul3A_208 = arith.mulf %get3A_204, %get3A_207 : vector<16xf32>
            %get3A_209 = arith.index_cast %add3A_167 : i32 to index
            %get3A_210 = arith.constant 96 : index
            %get3A_211 = tpu.vector_load %arg9[%get3A_209, %get3A_210] {strides = array<i32>} : memref<408x128xf32, #tpu.memory_space<vmem>>, vector<16xf32>,
            %get3A_212 = arith.index_cast %add3A_167 : i32 to index
            %get3A_213 = arith.constant 96 : index
            %get3A_214 = tpu.vector_load %arg10[%get3A_212, %get3A_213] {strides = array<i32>} : memref<408x128xf32, #tpu.memory_space<vmem>>, vector<16xf32>,
            %mul3A_215 = arith.mulf %get3A_211, %get3A_214 : vector<16xf32>
            %get3A_216 = arith.index_cast %add3A_167 : i32 to index
            %get3A_217 = arith.constant 112 : index
            %get3A_218 = tpu.vector_load %arg9[%get3A_216, %get3A_217] {strides = array<i32>} : memref<408x128xf32, #tpu.memory_space<vmem>>, vector<16xf32>,
            %get3A_219 = arith.index_cast %add3A_167 : i32 to index
            %get3A_220 = arith.constant 112 : index
            %get3A_221 = tpu.vector_load %arg10[%get3A_219, %get3A_220] {strides = array<i32>} : memref<408x128xf32, #tpu.memory_space<vmem>>, vector<16xf32>,
            %mul3A_222 = arith.mulf %get3A_218, %get3A_221 : vector<16xf32>
            %add3A_223 = arith.addf %mul3A_173, %mul3A_180 : vector<16xf32>
            %add3A_224 = arith.addf %mul3A_187, %mul3A_194 : vector<16xf32>
            %add3A_225 = arith.addf %mul3A_201, %mul3A_208 : vector<16xf32>
            %add3A_226 = arith.addf %mul3A_215, %mul3A_222 : vector<16xf32>
            %add3A_227 = arith.addf %add3A_223, %add3A_224 : vector<16xf32>
            %add3A_228 = arith.addf %add3A_225, %add3A_226 : vector<16xf32>
            %add3A_229 = arith.addf %add3A_227, %add3A_228 : vector<16xf32>
            %eq3A = vector.broadcast %scan3A_165 : i32 to vector<16xi32>
            %eq3A_230 = arith.cmpi eq, %iota3A, %eq3A : vector<16xi32>
            %reduce_sum3A = arith.constant true
            %reduce_sum3A_231 = vector.broadcast %reduce_sum3A : i1 to vector<16xi1>
            %reduce_sum3A_232 = tpu.scan <sum>, %add3A_229 masked %reduce_sum3A_231 : vector<16xf32>, vector<16xi1> -> vector<16xf32>
            %reduce_sum3A_233 = vector.extract %reduce_sum3A_232[15] : f32 from vector<16xf32>
            %broadcast_in_dim3A_234 = vector.broadcast %reduce_sum3A_233 : f32 to vector<16xf32>
            %select_n3A = arith.select %eq3A_230, %broadcast_in_dim3A_234, %scan3A_166 : vector<16xi1>, vector<16xf32>
            %scan3A_235 = arith.constant 1 : i32
            %scan3A_236 = arith.addi %scan3A_165, %scan3A_235 : i32
            %add3A_237 = arith.addi %add3A_145, %scan3A_236 : i32
            %get3A_238 = arith.index_cast %add3A_237 : i32 to index
            %get3A_239 = arith.constant 0 : index
            %get3A_240 = tpu.vector_load %arg9[%get3A_238, %get3A_239] {strides = array<i32>} : memref<408x128xf32, #tpu.memory_space<vmem>>, vector<16xf32>,
            %get3A_241 = arith.index_cast %add3A_237 : i32 to index
            %get3A_242 = arith.constant 0 : index
            %get3A_243 = tpu.vector_load %arg10[%get3A_241, %get3A_242] {strides = array<i32>} : memref<408x128xf32, #tpu.memory_space<vmem>>, vector<16xf32>,
            %mul3A_244 = arith.mulf %get3A_240, %get3A_243 : vector<16xf32>
            %get3A_245 = arith.index_cast %add3A_237 : i32 to index
            %get3A_246 = arith.constant 16 : index
            %get3A_247 = tpu.vector_load %arg9[%get3A_245, %get3A_246] {strides = array<i32>} : memref<408x128xf32, #tpu.memory_space<vmem>>, vector<16xf32>,
            %get3A_248 = arith.index_cast %add3A_237 : i32 to index
            %get3A_249 = arith.constant 16 : index
            %get3A_250 = tpu.vector_load %arg10[%get3A_248, %get3A_249] {strides = array<i32>} : memref<408x128xf32, #tpu.memory_space<vmem>>, vector<16xf32>,
            %mul3A_251 = arith.mulf %get3A_247, %get3A_250 : vector<16xf32>
            %get3A_252 = arith.index_cast %add3A_237 : i32 to index
            %get3A_253 = arith.constant 32 : index
            %get3A_254 = tpu.vector_load %arg9[%get3A_252, %get3A_253] {strides = array<i32>} : memref<408x128xf32, #tpu.memory_space<vmem>>, vector<16xf32>,
            %get3A_255 = arith.index_cast %add3A_237 : i32 to index
            %get3A_256 = arith.constant 32 : index
            %get3A_257 = tpu.vector_load %arg10[%get3A_255, %get3A_256] {strides = array<i32>} : memref<408x128xf32, #tpu.memory_space<vmem>>, vector<16xf32>,
            %mul3A_258 = arith.mulf %get3A_254, %get3A_257 : vector<16xf32>
            %get3A_259 = arith.index_cast %add3A_237 : i32 to index
            %get3A_260 = arith.constant 48 : index
            %get3A_261 = tpu.vector_load %arg9[%get3A_259, %get3A_260] {strides = array<i32>} : memref<408x128xf32, #tpu.memory_space<vmem>>, vector<16xf32>,
            %get3A_262 = arith.index_cast %add3A_237 : i32 to index
            %get3A_263 = arith.constant 48 : index
            %get3A_264 = tpu.vector_load %arg10[%get3A_262, %get3A_263] {strides = array<i32>} : memref<408x128xf32, #tpu.memory_space<vmem>>, vector<16xf32>,
            %mul3A_265 = arith.mulf %get3A_261, %get3A_264 : vector<16xf32>
            %get3A_266 = arith.index_cast %add3A_237 : i32 to index
            %get3A_267 = arith.constant 64 : index
            %get3A_268 = tpu.vector_load %arg9[%get3A_266, %get3A_267] {strides = array<i32>} : memref<408x128xf32, #tpu.memory_space<vmem>>, vector<16xf32>,
            %get3A_269 = arith.index_cast %add3A_237 : i32 to index
            %get3A_270 = arith.constant 64 : index
            %get3A_271 = tpu.vector_load %arg10[%get3A_269, %get3A_270] {strides = array<i32>} : memref<408x128xf32, #tpu.memory_space<vmem>>, vector<16xf32>,
            %mul3A_272 = arith.mulf %get3A_268, %get3A_271 : vector<16xf32>
            %get3A_273 = arith.index_cast %add3A_237 : i32 to index
            %get3A_274 = arith.constant 80 : index
            %get3A_275 = tpu.vector_load %arg9[%get3A_273, %get3A_274] {strides = array<i32>} : memref<408x128xf32, #tpu.memory_space<vmem>>, vector<16xf32>,
            %get3A_276 = arith.index_cast %add3A_237 : i32 to index
            %get3A_277 = arith.constant 80 : index
            %get3A_278 = tpu.vector_load %arg10[%get3A_276, %get3A_277] {strides = array<i32>} : memref<408x128xf32, #tpu.memory_space<vmem>>, vector<16xf32>,
            %mul3A_279 = arith.mulf %get3A_275, %get3A_278 : vector<16xf32>
            %get3A_280 = arith.index_cast %add3A_237 : i32 to index
            %get3A_281 = arith.constant 96 : index
            %get3A_282 = tpu.vector_load %arg9[%get3A_280, %get3A_281] {strides = array<i32>} : memref<408x128xf32, #tpu.memory_space<vmem>>, vector<16xf32>,
            %get3A_283 = arith.index_cast %add3A_237 : i32 to index
            %get3A_284 = arith.constant 96 : index
            %get3A_285 = tpu.vector_load %arg10[%get3A_283, %get3A_284] {strides = array<i32>} : memref<408x128xf32, #tpu.memory_space<vmem>>, vector<16xf32>,
            %mul3A_286 = arith.mulf %get3A_282, %get3A_285 : vector<16xf32>
            %get3A_287 = arith.index_cast %add3A_237 : i32 to index
            %get3A_288 = arith.constant 112 : index
            %get3A_289 = tpu.vector_load %arg9[%get3A_287, %get3A_288] {strides = array<i32>} : memref<408x128xf32, #tpu.memory_space<vmem>>, vector<16xf32>,
            %get3A_290 = arith.index_cast %add3A_237 : i32 to index
            %get3A_291 = arith.constant 112 : index
            %get3A_292 = tpu.vector_load %arg10[%get3A_290, %get3A_291] {strides = array<i32>} : memref<408x128xf32, #tpu.memory_space<vmem>>, vector<16xf32>,
            %mul3A_293 = arith.mulf %get3A_289, %get3A_292 : vector<16xf32>
            %add3A_294 = arith.addf %mul3A_244, %mul3A_251 : vector<16xf32>
            %add3A_295 = arith.addf %mul3A_258, %mul3A_265 : vector<16xf32>
            %add3A_296 = arith.addf %mul3A_272, %mul3A_279 : vector<16xf32>
            %add3A_297 = arith.addf %mul3A_286, %mul3A_293 : vector<16xf32>
            %add3A_298 = arith.addf %add3A_294, %add3A_295 : vector<16xf32>
            %add3A_299 = arith.addf %add3A_296, %add3A_297 : vector<16xf32>
            %add3A_300 = arith.addf %add3A_298, %add3A_299 : vector<16xf32>
            %eq3A_301 = vector.broadcast %scan3A_236 : i32 to vector<16xi32>
            %eq3A_302 = arith.cmpi eq, %iota3A, %eq3A_301 : vector<16xi32>
            %reduce_sum3A_303 = arith.constant true
            %reduce_sum3A_304 = vector.broadcast %reduce_sum3A_303 : i1 to vector<16xi1>
            %reduce_sum3A_305 = tpu.scan <sum>, %add3A_300 masked %reduce_sum3A_304 : vector<16xf32>, vector<16xi1> -> vector<16xf32>
            %reduce_sum3A_306 = vector.extract %reduce_sum3A_305[15] : f32 from vector<16xf32>
            %broadcast_in_dim3A_307 = vector.broadcast %reduce_sum3A_306 : f32 to vector<16xf32>
            %select_n3A_308 = arith.select %eq3A_302, %broadcast_in_dim3A_307, %select_n3A : vector<16xi1>, vector<16xf32>
            %scan3A_309 = arith.constant 2 : i32
            %scan3A_310 = arith.addi %scan3A_165, %scan3A_309 : i32
            %add3A_311 = arith.addi %add3A_145, %scan3A_310 : i32
            %get3A_312 = arith.index_cast %add3A_311 : i32 to index
            %get3A_313 = arith.constant 0 : index
            %get3A_314 = tpu.vector_load %arg9[%get3A_312, %get3A_313] {strides = array<i32>} : memref<408x128xf32, #tpu.memory_space<vmem>>, vector<16xf32>,
            %get3A_315 = arith.index_cast %add3A_311 : i32 to index
            %get3A_316 = arith.constant 0 : index
            %get3A_317 = tpu.vector_load %arg10[%get3A_315, %get3A_316] {strides = array<i32>} : memref<408x128xf32, #tpu.memory_space<vmem>>, vector<16xf32>,
            %mul3A_318 = arith.mulf %get3A_314, %get3A_317 : vector<16xf32>
            %get3A_319 = arith.index_cast %add3A_311 : i32 to index
            %get3A_320 = arith.constant 16 : index
            %get3A_321 = tpu.vector_load %arg9[%get3A_319, %get3A_320] {strides = array<i32>} : memref<408x128xf32, #tpu.memory_space<vmem>>, vector<16xf32>,
            %get3A_322 = arith.index_cast %add3A_311 : i32 to index
            %get3A_323 = arith.constant 16 : index
            %get3A_324 = tpu.vector_load %arg10[%get3A_322, %get3A_323] {strides = array<i32>} : memref<408x128xf32, #tpu.memory_space<vmem>>, vector<16xf32>,
            %mul3A_325 = arith.mulf %get3A_321, %get3A_324 : vector<16xf32>
            %get3A_326 = arith.index_cast %add3A_311 : i32 to index
            %get3A_327 = arith.constant 32 : index
            %get3A_328 = tpu.vector_load %arg9[%get3A_326, %get3A_327] {strides = array<i32>} : memref<408x128xf32, #tpu.memory_space<vmem>>, vector<16xf32>,
            %get3A_329 = arith.index_cast %add3A_311 : i32 to index
            %get3A_330 = arith.constant 32 : index
            %get3A_331 = tpu.vector_load %arg10[%get3A_329, %get3A_330] {strides = array<i32>} : memref<408x128xf32, #tpu.memory_space<vmem>>, vector<16xf32>,
            %mul3A_332 = arith.mulf %get3A_328, %get3A_331 : vector<16xf32>
            %get3A_333 = arith.index_cast %add3A_311 : i32 to index
            %get3A_334 = arith.constant 48 : index
            %get3A_335 = tpu.vector_load %arg9[%get3A_333, %get3A_334] {strides = array<i32>} : memref<408x128xf32, #tpu.memory_space<vmem>>, vector<16xf32>,
            %get3A_336 = arith.index_cast %add3A_311 : i32 to index
            %get3A_337 = arith.constant 48 : index
            %get3A_338 = tpu.vector_load %arg10[%get3A_336, %get3A_337] {strides = array<i32>} : memref<408x128xf32, #tpu.memory_space<vmem>>, vector<16xf32>,
            %mul3A_339 = arith.mulf %get3A_335, %get3A_338 : vector<16xf32>
            %get3A_340 = arith.index_cast %add3A_311 : i32 to index
            %get3A_341 = arith.constant 64 : index
            %get3A_342 = tpu.vector_load %arg9[%get3A_340, %get3A_341] {strides = array<i32>} : memref<408x128xf32, #tpu.memory_space<vmem>>, vector<16xf32>,
            %get3A_343 = arith.index_cast %add3A_311 : i32 to index
            %get3A_344 = arith.constant 64 : index
            %get3A_345 = tpu.vector_load %arg10[%get3A_343, %get3A_344] {strides = array<i32>} : memref<408x128xf32, #tpu.memory_space<vmem>>, vector<16xf32>,
            %mul3A_346 = arith.mulf %get3A_342, %get3A_345 : vector<16xf32>
            %get3A_347 = arith.index_cast %add3A_311 : i32 to index
            %get3A_348 = arith.constant 80 : index
            %get3A_349 = tpu.vector_load %arg9[%get3A_347, %get3A_348] {strides = array<i32>} : memref<408x128xf32, #tpu.memory_space<vmem>>, vector<16xf32>,
            %get3A_350 = arith.index_cast %add3A_311 : i32 to index
            %get3A_351 = arith.constant 80 : index
            %get3A_352 = tpu.vector_load %arg10[%get3A_350, %get3A_351] {strides = array<i32>} : memref<408x128xf32, #tpu.memory_space<vmem>>, vector<16xf32>,
            %mul3A_353 = arith.mulf %get3A_349, %get3A_352 : vector<16xf32>
            %get3A_354 = arith.index_cast %add3A_311 : i32 to index
            %get3A_355 = arith.constant 96 : index
            %get3A_356 = tpu.vector_load %arg9[%get3A_354, %get3A_355] {strides = array<i32>} : memref<408x128xf32, #tpu.memory_space<vmem>>, vector<16xf32>,
            %get3A_357 = arith.index_cast %add3A_311 : i32 to index
            %get3A_358 = arith.constant 96 : index
            %get3A_359 = tpu.vector_load %arg10[%get3A_357, %get3A_358] {strides = array<i32>} : memref<408x128xf32, #tpu.memory_space<vmem>>, vector<16xf32>,
            %mul3A_360 = arith.mulf %get3A_356, %get3A_359 : vector<16xf32>
            %get3A_361 = arith.index_cast %add3A_311 : i32 to index
            %get3A_362 = arith.constant 112 : index
            %get3A_363 = tpu.vector_load %arg9[%get3A_361, %get3A_362] {strides = array<i32>} : memref<408x128xf32, #tpu.memory_space<vmem>>, vector<16xf32>,
            %get3A_364 = arith.index_cast %add3A_311 : i32 to index
            %get3A_365 = arith.constant 112 : index
            %get3A_366 = tpu.vector_load %arg10[%get3A_364, %get3A_365] {strides = array<i32>} : memref<408x128xf32, #tpu.memory_space<vmem>>, vector<16xf32>,
            %mul3A_367 = arith.mulf %get3A_363, %get3A_366 : vector<16xf32>
            %add3A_368 = arith.addf %mul3A_318, %mul3A_325 : vector<16xf32>
            %add3A_369 = arith.addf %mul3A_332, %mul3A_339 : vector<16xf32>
            %add3A_370 = arith.addf %mul3A_346, %mul3A_353 : vector<16xf32>
            %add3A_371 = arith.addf %mul3A_360, %mul3A_367 : vector<16xf32>
            %add3A_372 = arith.addf %add3A_368, %add3A_369 : vector<16xf32>
            %add3A_373 = arith.addf %add3A_370, %add3A_371 : vector<16xf32>
            %add3A_374 = arith.addf %add3A_372, %add3A_373 : vector<16xf32>
            %eq3A_375 = vector.broadcast %scan3A_310 : i32 to vector<16xi32>
            %eq3A_376 = arith.cmpi eq, %iota3A, %eq3A_375 : vector<16xi32>
            %reduce_sum3A_377 = arith.constant true
            %reduce_sum3A_378 = vector.broadcast %reduce_sum3A_377 : i1 to vector<16xi1>
            %reduce_sum3A_379 = tpu.scan <sum>, %add3A_374 masked %reduce_sum3A_378 : vector<16xf32>, vector<16xi1> -> vector<16xf32>
            %reduce_sum3A_380 = vector.extract %reduce_sum3A_379[15] : f32 from vector<16xf32>
            %broadcast_in_dim3A_381 = vector.broadcast %reduce_sum3A_380 : f32 to vector<16xf32>
            %select_n3A_382 = arith.select %eq3A_376, %broadcast_in_dim3A_381, %select_n3A_308 : vector<16xi1>, vector<16xf32>
            %scan3A_383 = arith.constant 3 : i32
            %scan3A_384 = arith.addi %scan3A_165, %scan3A_383 : i32
            %add3A_385 = arith.addi %add3A_145, %scan3A_384 : i32
            %get3A_386 = arith.index_cast %add3A_385 : i32 to index
            %get3A_387 = arith.constant 0 : index
            %get3A_388 = tpu.vector_load %arg9[%get3A_386, %get3A_387] {strides = array<i32>} : memref<408x128xf32, #tpu.memory_space<vmem>>, vector<16xf32>,
            %get3A_389 = arith.index_cast %add3A_385 : i32 to index
            %get3A_390 = arith.constant 0 : index
            %get3A_391 = tpu.vector_load %arg10[%get3A_389, %get3A_390] {strides = array<i32>} : memref<408x128xf32, #tpu.memory_space<vmem>>, vector<16xf32>,
            %mul3A_392 = arith.mulf %get3A_388, %get3A_391 : vector<16xf32>
            %get3A_393 = arith.index_cast %add3A_385 : i32 to index
            %get3A_394 = arith.constant 16 : index
            %get3A_395 = tpu.vector_load %arg9[%get3A_393, %get3A_394] {strides = array<i32>} : memref<408x128xf32, #tpu.memory_space<vmem>>, vector<16xf32>,
            %get3A_396 = arith.index_cast %add3A_385 : i32 to index
            %get3A_397 = arith.constant 16 : index
            %get3A_398 = tpu.vector_load %arg10[%get3A_396, %get3A_397] {strides = array<i32>} : memref<408x128xf32, #tpu.memory_space<vmem>>, vector<16xf32>,
            %mul3A_399 = arith.mulf %get3A_395, %get3A_398 : vector<16xf32>
            %get3A_400 = arith.index_cast %add3A_385 : i32 to index
            %get3A_401 = arith.constant 32 : index
            %get3A_402 = tpu.vector_load %arg9[%get3A_400, %get3A_401] {strides = array<i32>} : memref<408x128xf32, #tpu.memory_space<vmem>>, vector<16xf32>,
            %get3A_403 = arith.index_cast %add3A_385 : i32 to index
            %get3A_404 = arith.constant 32 : index
            %get3A_405 = tpu.vector_load %arg10[%get3A_403, %get3A_404] {strides = array<i32>} : memref<408x128xf32, #tpu.memory_space<vmem>>, vector<16xf32>,
            %mul3A_406 = arith.mulf %get3A_402, %get3A_405 : vector<16xf32>
            %get3A_407 = arith.index_cast %add3A_385 : i32 to index
            %get3A_408 = arith.constant 48 : index
            %get3A_409 = tpu.vector_load %arg9[%get3A_407, %get3A_408] {strides = array<i32>} : memref<408x128xf32, #tpu.memory_space<vmem>>, vector<16xf32>,
            %get3A_410 = arith.index_cast %add3A_385 : i32 to index
            %get3A_411 = arith.constant 48 : index
            %get3A_412 = tpu.vector_load %arg10[%get3A_410, %get3A_411] {strides = array<i32>} : memref<408x128xf32, #tpu.memory_space<vmem>>, vector<16xf32>,
            %mul3A_413 = arith.mulf %get3A_409, %get3A_412 : vector<16xf32>
            %get3A_414 = arith.index_cast %add3A_385 : i32 to index
            %get3A_415 = arith.constant 64 : index
            %get3A_416 = tpu.vector_load %arg9[%get3A_414, %get3A_415] {strides = array<i32>} : memref<408x128xf32, #tpu.memory_space<vmem>>, vector<16xf32>,
            %get3A_417 = arith.index_cast %add3A_385 : i32 to index
            %get3A_418 = arith.constant 64 : index
            %get3A_419 = tpu.vector_load %arg10[%get3A_417, %get3A_418] {strides = array<i32>} : memref<408x128xf32, #tpu.memory_space<vmem>>, vector<16xf32>,
            %mul3A_420 = arith.mulf %get3A_416, %get3A_419 : vector<16xf32>
            %get3A_421 = arith.index_cast %add3A_385 : i32 to index
            %get3A_422 = arith.constant 80 : index
            %get3A_423 = tpu.vector_load %arg9[%get3A_421, %get3A_422] {strides = array<i32>} : memref<408x128xf32, #tpu.memory_space<vmem>>, vector<16xf32>,
            %get3A_424 = arith.index_cast %add3A_385 : i32 to index
            %get3A_425 = arith.constant 80 : index
            %get3A_426 = tpu.vector_load %arg10[%get3A_424, %get3A_425] {strides = array<i32>} : memref<408x128xf32, #tpu.memory_space<vmem>>, vector<16xf32>,
            %mul3A_427 = arith.mulf %get3A_423, %get3A_426 : vector<16xf32>
            %get3A_428 = arith.index_cast %add3A_385 : i32 to index
            %get3A_429 = arith.constant 96 : index
            %get3A_430 = tpu.vector_load %arg9[%get3A_428, %get3A_429] {strides = array<i32>} : memref<408x128xf32, #tpu.memory_space<vmem>>, vector<16xf32>,
            %get3A_431 = arith.index_cast %add3A_385 : i32 to index
            %get3A_432 = arith.constant 96 : index
            %get3A_433 = tpu.vector_load %arg10[%get3A_431, %get3A_432] {strides = array<i32>} : memref<408x128xf32, #tpu.memory_space<vmem>>, vector<16xf32>,
            %mul3A_434 = arith.mulf %get3A_430, %get3A_433 : vector<16xf32>
            %get3A_435 = arith.index_cast %add3A_385 : i32 to index
            %get3A_436 = arith.constant 112 : index
            %get3A_437 = tpu.vector_load %arg9[%get3A_435, %get3A_436] {strides = array<i32>} : memref<408x128xf32, #tpu.memory_space<vmem>>, vector<16xf32>,
            %get3A_438 = arith.index_cast %add3A_385 : i32 to index
            %get3A_439 = arith.constant 112 : index
            %get3A_440 = tpu.vector_load %arg10[%get3A_438, %get3A_439] {strides = array<i32>} : memref<408x128xf32, #tpu.memory_space<vmem>>, vector<16xf32>,
            %mul3A_441 = arith.mulf %get3A_437, %get3A_440 : vector<16xf32>
            %add3A_442 = arith.addf %mul3A_392, %mul3A_399 : vector<16xf32>
            %add3A_443 = arith.addf %mul3A_406, %mul3A_413 : vector<16xf32>
            %add3A_444 = arith.addf %mul3A_420, %mul3A_427 : vector<16xf32>
            %add3A_445 = arith.addf %mul3A_434, %mul3A_441 : vector<16xf32>
            %add3A_446 = arith.addf %add3A_442, %add3A_443 : vector<16xf32>
            %add3A_447 = arith.addf %add3A_444, %add3A_445 : vector<16xf32>
            %add3A_448 = arith.addf %add3A_446, %add3A_447 : vector<16xf32>
            %eq3A_449 = vector.broadcast %scan3A_384 : i32 to vector<16xi32>
            %eq3A_450 = arith.cmpi eq, %iota3A, %eq3A_449 : vector<16xi32>
            %reduce_sum3A_451 = arith.constant true
            %reduce_sum3A_452 = vector.broadcast %reduce_sum3A_451 : i1 to vector<16xi1>
            %reduce_sum3A_453 = tpu.scan <sum>, %add3A_448 masked %reduce_sum3A_452 : vector<16xf32>, vector<16xi1> -> vector<16xf32>
            %reduce_sum3A_454 = vector.extract %reduce_sum3A_453[15] : f32 from vector<16xf32>
            %broadcast_in_dim3A_455 = vector.broadcast %reduce_sum3A_454 : f32 to vector<16xf32>
            %select_n3A_456 = arith.select %eq3A_450, %broadcast_in_dim3A_455, %select_n3A_382 : vector<16xi1>, vector<16xf32>
            scf.yield %select_n3A_456 : vector<16xf32>
          }
          %scan3A_152 = arith.constant 16 : i32
          %neg3A = arith.constant 0.000000e+00 : f32
          %neg3A_153 = vector.broadcast %neg3A : f32 to vector<16xf32>
          %neg3A_154 = arith.subf %neg3A_153, %scan3A_151 : vector<16xf32>
          %exp3A = math.exp %neg3A_154 : vector<16xf32>
          %add3A_155 = arith.constant 1.000000e+00 : f32
          %add3A_156 = vector.broadcast %add3A_155 : f32 to vector<16xf32>
          %add3A_157 = arith.addf %add3A_156, %exp3A : vector<16xf32>
          %div3A = arith.constant 1.000000e+00 : f32
          %div3A_158 = vector.broadcast %div3A : f32 to vector<16xf32>
          %div3A_159 = arith.divf %div3A_158, %add3A_157 : vector<16xf32>
          %mul3A_160 = arith.constant 16 : i32
          %mul3A_161 = arith.muli %scan3A_141, %mul3A_160 : i32
          %add3A_162 = arith.constant 0 : i32
          %add3A_163 = arith.addi %add3A_162, %mul3A_161 : i32
          %swap3A = arith.index_cast %add3A_163 : i32 to index
          %swap3A_164 = tpu.vector_load %arg11[%swap3A] {strides = array<i32>} : memref<416xf32, #tpu.memory_space<vmem>>, vector<16xf32>,
          tpu.vector_store %arg11[%swap3A], %div3A_159 {strides = array<i32>} : memref<416xf32, #tpu.memory_space<vmem>>, vector<16xf32>,
        }
        %scan3A_131 = arith.constant 13 : i32
        %mul3A_132 = arith.constant 200 : i32
        %mul3A_133 = arith.muli %add3A_58, %mul3A_132 : i32
        %add3A_134 = arith.addi %mul3A_2, %mul3A_133 : i32
        %dma_start3A_135 = arith.constant 0 : i32
        %dma_start3A_136 = tpu.memref_slice %arg11[%dma_start3A_135] : memref<416xf32, #tpu.memory_space<vmem>> -> memref<200xf32, #tpu.memory_space<vmem>>
        %dma_start3A_137 = tpu.memref_slice %arg6[%add3A_134] : memref<320000xf32, #tpu.memory_space<hbm>> -> memref<200xf32, #tpu.memory_space<hbm>>
        %dma_start3A_138 = tpu.memref_slice %arg6[%add3A_134] : memref<320000xf32, #tpu.memory_space<hbm>> -> memref<200xf32, #tpu.memory_space<hbm>>
        %dma_start3A_139 = arith.constant 0 : i32
        %dma_start3A_140 = tpu.memref_slice %arg11[%dma_start3A_139] : memref<416xf32, #tpu.memory_space<vmem>> -> memref<200xf32, #tpu.memory_space<vmem>>
        tpu.enqueue_dma source(%dma_start3A_140 : memref<200xf32, #tpu.memory_space<vmem>>) target(%dma_start3A_138 : memref<200xf32, #tpu.memory_space<hbm>>) target_semaphore(%arg16 : memref<!tpu.dma_semaphore, #tpu.memory_space<semaphore_mem>>)
      } else {
      }
      %mul3A_61 = arith.constant 2 : i32
      %mul3A_62 = arith.muli %scan3A_54, %mul3A_61 : i32
      %add3A_63 = arith.constant 1 : i32
      %add3A_64 = arith.addi %mul3A_62, %add3A_63 : i32
      %lt3A_65 = arith.constant 50 : i32
      %lt3A_66 = arith.cmpi slt, %add3A_64, %lt3A_65 : i32
      %convert_element_type3A_67 = arith.extui %lt3A_66 : i1 to i32
      %cond3A_68 = arith.constant 0 : i32
      %cond3A_69 = arith.cmpi ne, %convert_element_type3A_67, %cond3A_68 : i32
      scf.if %cond3A_69 {
        %add3A_70 = arith.constant 2 : i32
        %add3A_71 = arith.addi %add3A_64, %add3A_70 : i32
        %sub3A = arith.constant 1 : i32
        %sub3A_72 = arith.subi %add3A_71, %sub3A : i32
        %lt3A_73 = arith.constant 50 : i32
        %lt3A_74 = arith.cmpi slt, %sub3A_72, %lt3A_73 : i32
        %convert_element_type3A_75 = arith.extui %lt3A_74 : i1 to i32
        %cond3A_76 = arith.constant 0 : i32
        %cond3A_77 = arith.cmpi ne, %convert_element_type3A_75, %cond3A_76 : i32
        scf.if %cond3A_77 {
          %add3A_141 = arith.constant 2 : i32
          %add3A_142 = arith.addi %add3A_64, %add3A_141 : i32
          %sub3A_143 = arith.constant 1 : i32
          %sub3A_144 = arith.subi %add3A_142, %sub3A_143 : i32
          %mul3A_145 = arith.constant 200 : i32
          %mul3A_146 = arith.muli %sub3A_144, %mul3A_145 : i32
          %add3A_147 = arith.constant 0 : i32
          %add3A_148 = arith.addi %mul3A_146, %add3A_147 : i32
          %mul3A_149 = arith.constant 200 : i32
          %mul3A_150 = arith.muli %sub3A_144, %mul3A_149 : i32
          %add3A_151 = arith.constant 104 : i32
          %add3A_152 = arith.addi %mul3A_150, %add3A_151 : i32
          %mul3A_153 = arith.constant 200 : i32
          %mul3A_154 = arith.muli %sub3A_144, %mul3A_153 : i32
          %add3A_155 = arith.constant 0 : i32
          %add3A_156 = arith.addi %mul3A_154, %add3A_155 : i32
          %mul3A_157 = arith.constant 200 : i32
          %mul3A_158 = arith.muli %sub3A_144, %mul3A_157 : i32
          %add3A_159 = arith.constant 104 : i32
          %add3A_160 = arith.addi %mul3A_158, %add3A_159 : i32
          %dma_start3A_161 = arith.constant 0 : i32
          %dma_start3A_162 = arith.constant 0 : i32
          %dma_start3A_163 = tpu.memref_slice %arg9[%dma_start3A_161, %dma_start3A_162] : memref<408x128xf32, #tpu.memory_space<vmem>> -> memref<104x128xf32, #tpu.memory_space<vmem>>
          %dma_start3A_164 = tpu.memref_slice %arg7[%add3A_148] : memref<10000xi32, #tpu.memory_space<vmem>> -> memref<104xi32, #tpu.memory_space<vmem>>
          %dma_start3A_165 = arith.constant 0 : i32
          %dma_start3A_166 = arith.constant 0 : i32
          %dma_start3A_167 = tpu.memref_slice %arg2[%dma_start3A_165, %dma_start3A_166] : memref<10000x128xf32, #tpu.memory_space<hbm>> -> memref<10000x128xf32, #tpu.memory_space<hbm>>
          tpu.enqueue_indirect_dma source(%dma_start3A_167 : memref<10000x128xf32, #tpu.memory_space<hbm>>) target(%dma_start3A_163 : memref<104x128xf32, #tpu.memory_space<vmem>>) offsets(%dma_start3A_164 : memref<104xi32, #tpu.memory_space<vmem>>) semaphore(%arg12 : memref<!tpu.dma_semaphore, #tpu.memory_space<semaphore_mem>>)
          %dma_start3A_168 = arith.constant 104 : i32
          %dma_start3A_169 = arith.constant 0 : i32
          %dma_start3A_170 = tpu.memref_slice %arg9[%dma_start3A_168, %dma_start3A_169] : memref<408x128xf32, #tpu.memory_space<vmem>> -> memref<96x128xf32, #tpu.memory_space<vmem>>
          %dma_start3A_171 = tpu.memref_slice %arg7[%add3A_152] : memref<10000xi32, #tpu.memory_space<vmem>> -> memref<96xi32, #tpu.memory_space<vmem>>
          %dma_start3A_172 = arith.constant 0 : i32
          %dma_start3A_173 = arith.constant 0 : i32
          %dma_start3A_174 = tpu.memref_slice %arg2[%dma_start3A_172, %dma_start3A_173] : memref<10000x128xf32, #tpu.memory_space<hbm>> -> memref<10000x128xf32, #tpu.memory_space<hbm>>
          tpu.enqueue_indirect_dma source(%dma_start3A_174 : memref<10000x128xf32, #tpu.memory_space<hbm>>) target(%dma_start3A_170 : memref<96x128xf32, #tpu.memory_space<vmem>>) offsets(%dma_start3A_171 : memref<96xi32, #tpu.memory_space<vmem>>) semaphore(%arg12 : memref<!tpu.dma_semaphore, #tpu.memory_space<semaphore_mem>>)
          %dma_start3A_175 = arith.constant 0 : i32
          %dma_start3A_176 = arith.constant 0 : i32
          %dma_start3A_177 = tpu.memref_slice %arg10[%dma_start3A_175, %dma_start3A_176] : memref<408x128xf32, #tpu.memory_space<vmem>> -> memref<104x128xf32, #tpu.memory_space<vmem>>
          %dma_start3A_178 = tpu.memref_slice %arg8[%add3A_156] : memref<10000xi32, #tpu.memory_space<vmem>> -> memref<104xi32, #tpu.memory_space<vmem>>
          %dma_start3A_179 = arith.constant 0 : i32
          %dma_start3A_180 = arith.constant 0 : i32
          %dma_start3A_181 = tpu.memref_slice %arg3[%dma_start3A_179, %dma_start3A_180] : memref<10000x128xf32, #tpu.memory_space<hbm>> -> memref<10000x128xf32, #tpu.memory_space<hbm>>
          tpu.enqueue_indirect_dma source(%dma_start3A_181 : memref<10000x128xf32, #tpu.memory_space<hbm>>) target(%dma_start3A_177 : memref<104x128xf32, #tpu.memory_space<vmem>>) offsets(%dma_start3A_178 : memref<104xi32, #tpu.memory_space<vmem>>) semaphore(%arg14 : memref<!tpu.dma_semaphore, #tpu.memory_space<semaphore_mem>>)
          %dma_start3A_182 = arith.constant 104 : i32
          %dma_start3A_183 = arith.constant 0 : i32
          %dma_start3A_184 = tpu.memref_slice %arg10[%dma_start3A_182, %dma_start3A_183] : memref<408x128xf32, #tpu.memory_space<vmem>> -> memref<96x128xf32, #tpu.memory_space<vmem>>
          %dma_start3A_185 = tpu.memref_slice %arg8[%add3A_160] : memref<10000xi32, #tpu.memory_space<vmem>> -> memref<96xi32, #tpu.memory_space<vmem>>
          %dma_start3A_186 = arith.constant 0 : i32
          %dma_start3A_187 = arith.constant 0 : i32
          %dma_start3A_188 = tpu.memref_slice %arg3[%dma_start3A_186, %dma_start3A_187] : memref<10000x128xf32, #tpu.memory_space<hbm>> -> memref<10000x128xf32, #tpu.memory_space<hbm>>
          tpu.enqueue_indirect_dma source(%dma_start3A_188 : memref<10000x128xf32, #tpu.memory_space<hbm>>) target(%dma_start3A_184 : memref<96x128xf32, #tpu.memory_space<vmem>>) offsets(%dma_start3A_185 : memref<96xi32, #tpu.memory_space<vmem>>) semaphore(%arg14 : memref<!tpu.dma_semaphore, #tpu.memory_space<semaphore_mem>>)
        } else {
        }
        %mul3A_78 = arith.constant 200 : i32
        %mul3A_79 = arith.muli %add3A_64, %mul3A_78 : i32
        %add3A_80 = arith.constant 0 : i32
        %add3A_81 = arith.addi %mul3A_79, %add3A_80 : i32
        %mul3A_82 = arith.constant 200 : i32
        %mul3A_83 = arith.muli %add3A_64, %mul3A_82 : i32
        %add3A_84 = arith.constant 104 : i32
        %add3A_85 = arith.addi %mul3A_83, %add3A_84 : i32
        %mul3A_86 = arith.constant 200 : i32
        %mul3A_87 = arith.muli %add3A_64, %mul3A_86 : i32
        %add3A_88 = arith.constant 0 : i32
        %add3A_89 = arith.addi %mul3A_87, %add3A_88 : i32
        %mul3A_90 = arith.constant 200 : i32
        %mul3A_91 = arith.muli %add3A_64, %mul3A_90 : i32
        %add3A_92 = arith.constant 104 : i32
        %add3A_93 = arith.addi %mul3A_91, %add3A_92 : i32
        %dma_wait3A_94 = arith.constant 200 : i32
        %dma_wait3A_95 = arith.constant 0 : i32
        %dma_wait3A_96 = tpu.memref_slice %arg9[%dma_wait3A_94, %dma_wait3A_95] : memref<408x128xf32, #tpu.memory_space<vmem>> -> memref<104x128xf32, #tpu.memory_space<vmem>>
        %dma_wait3A_97 = tpu.memref_slice %arg7[%add3A_81] : memref<10000xi32, #tpu.memory_space<vmem>> -> memref<104xi32, #tpu.memory_space<vmem>>
        %dma_wait3A_98 = arith.constant 0 : i32
        %dma_wait3A_99 = arith.constant 0 : i32
        %dma_wait3A_100 = tpu.memref_slice %arg2[%dma_wait3A_98, %dma_wait3A_99] : memref<10000x128xf32, #tpu.memory_space<hbm>> -> memref<10000x128xf32, #tpu.memory_space<hbm>>
        tpu.wait_indirect_dma semaphore(%arg13 : memref<!tpu.dma_semaphore, #tpu.memory_space<semaphore_mem>>) src(%dma_wait3A_100 : memref<10000x128xf32, #tpu.memory_space<hbm>>) dst(%dma_wait3A_96 : memref<104x128xf32, #tpu.memory_space<vmem>>)
        %dma_wait3A_101 = arith.constant 304 : i32
        %dma_wait3A_102 = arith.constant 0 : i32
        %dma_wait3A_103 = tpu.memref_slice %arg9[%dma_wait3A_101, %dma_wait3A_102] : memref<408x128xf32, #tpu.memory_space<vmem>> -> memref<96x128xf32, #tpu.memory_space<vmem>>
        %dma_wait3A_104 = tpu.memref_slice %arg7[%add3A_85] : memref<10000xi32, #tpu.memory_space<vmem>> -> memref<96xi32, #tpu.memory_space<vmem>>
        %dma_wait3A_105 = arith.constant 0 : i32
        %dma_wait3A_106 = arith.constant 0 : i32
        %dma_wait3A_107 = tpu.memref_slice %arg2[%dma_wait3A_105, %dma_wait3A_106] : memref<10000x128xf32, #tpu.memory_space<hbm>> -> memref<10000x128xf32, #tpu.memory_space<hbm>>
        tpu.wait_indirect_dma semaphore(%arg13 : memref<!tpu.dma_semaphore, #tpu.memory_space<semaphore_mem>>) src(%dma_wait3A_107 : memref<10000x128xf32, #tpu.memory_space<hbm>>) dst(%dma_wait3A_103 : memref<96x128xf32, #tpu.memory_space<vmem>>)
        %dma_wait3A_108 = arith.constant 200 : i32
        %dma_wait3A_109 = arith.constant 0 : i32
        %dma_wait3A_110 = tpu.memref_slice %arg10[%dma_wait3A_108, %dma_wait3A_109] : memref<408x128xf32, #tpu.memory_space<vmem>> -> memref<104x128xf32, #tpu.memory_space<vmem>>
        %dma_wait3A_111 = tpu.memref_slice %arg8[%add3A_89] : memref<10000xi32, #tpu.memory_space<vmem>> -> memref<104xi32, #tpu.memory_space<vmem>>
        %dma_wait3A_112 = arith.constant 0 : i32
        %dma_wait3A_113 = arith.constant 0 : i32
        %dma_wait3A_114 = tpu.memref_slice %arg3[%dma_wait3A_112, %dma_wait3A_113] : memref<10000x128xf32, #tpu.memory_space<hbm>> -> memref<10000x128xf32, #tpu.memory_space<hbm>>
        tpu.wait_indirect_dma semaphore(%arg15 : memref<!tpu.dma_semaphore, #tpu.memory_space<semaphore_mem>>) src(%dma_wait3A_114 : memref<10000x128xf32, #tpu.memory_space<hbm>>) dst(%dma_wait3A_110 : memref<104x128xf32, #tpu.memory_space<vmem>>)
        %dma_wait3A_115 = arith.constant 304 : i32
        %dma_wait3A_116 = arith.constant 0 : i32
        %dma_wait3A_117 = tpu.memref_slice %arg10[%dma_wait3A_115, %dma_wait3A_116] : memref<408x128xf32, #tpu.memory_space<vmem>> -> memref<96x128xf32, #tpu.memory_space<vmem>>
        %dma_wait3A_118 = tpu.memref_slice %arg8[%add3A_93] : memref<10000xi32, #tpu.memory_space<vmem>> -> memref<96xi32, #tpu.memory_space<vmem>>
        %dma_wait3A_119 = arith.constant 0 : i32
        %dma_wait3A_120 = arith.constant 0 : i32
        %dma_wait3A_121 = tpu.memref_slice %arg3[%dma_wait3A_119, %dma_wait3A_120] : memref<10000x128xf32, #tpu.memory_space<hbm>> -> memref<10000x128xf32, #tpu.memory_space<hbm>>
        tpu.wait_indirect_dma semaphore(%arg15 : memref<!tpu.dma_semaphore, #tpu.memory_space<semaphore_mem>>) src(%dma_wait3A_121 : memref<10000x128xf32, #tpu.memory_space<hbm>>) dst(%dma_wait3A_117 : memref<96x128xf32, #tpu.memory_space<vmem>>)
        %ge3A = arith.constant 2 : i32
        %ge3A_122 = arith.cmpi sge, %add3A_64, %ge3A : i32
        %convert_element_type3A_123 = arith.extui %ge3A_122 : i1 to i32
        %cond3A_124 = arith.constant 0 : i32
        %cond3A_125 = arith.cmpi ne, %convert_element_type3A_123, %cond3A_124 : i32
        scf.if %cond3A_125 {
          %mul3A_141 = arith.constant 200 : i32
          %mul3A_142 = arith.muli %add3A_64, %mul3A_141 : i32
          %add3A_143 = arith.addi %mul3A_2, %mul3A_142 : i32
          %dma_wait3A_144 = arith.constant 208 : i32
          %dma_wait3A_145 = tpu.memref_slice %arg11[%dma_wait3A_144] : memref<416xf32, #tpu.memory_space<vmem>> -> memref<200xf32, #tpu.memory_space<vmem>>
          %dma_wait3A_146 = tpu.memref_slice %arg6[%add3A_143] : memref<320000xf32, #tpu.memory_space<hbm>> -> memref<200xf32, #tpu.memory_space<hbm>>
          %dma_wait3A_147 = tpu.memref_slice %arg6[%add3A_143] : memref<320000xf32, #tpu.memory_space<hbm>> -> memref<200xf32, #tpu.memory_space<hbm>>
          %dma_wait3A_148 = arith.constant 208 : i32
          %dma_wait3A_149 = tpu.memref_slice %arg11[%dma_wait3A_148] : memref<416xf32, #tpu.memory_space<vmem>> -> memref<200xf32, #tpu.memory_space<vmem>>
          tpu.wait_dma2 semaphore(%arg17 : memref<!tpu.dma_semaphore, #tpu.memory_space<semaphore_mem>>) src(%dma_wait3A_149 : memref<200xf32, #tpu.memory_space<vmem>>) dst(%dma_wait3A_147 : memref<200xf32, #tpu.memory_space<hbm>>)
        } else {
        }
        %scan3A_126 = arith.constant 0 : i32
        %scan3A_127 = arith.constant 0 : i32
        %scan3A_128 = arith.constant 13 : i32
        %scan3A_129 = arith.addi %scan3A_127, %scan3A_128 : i32
        %scan3A_130 = arith.constant 1 : i32
        scf.for %scan3A_141 = %scan3A_127 to %scan3A_129 step %scan3A_130  : i32 {
          %mul3A_142 = arith.constant 16 : i32
          %mul3A_143 = arith.muli %scan3A_141, %mul3A_142 : i32
          %add3A_144 = arith.constant 200 : i32
          %add3A_145 = arith.addi %add3A_144, %mul3A_143 : i32
          %broadcast_in_dim3A = arith.constant 0.000000e+00 : f32
          %broadcast_in_dim3A_146 = vector.broadcast %broadcast_in_dim3A : f32 to vector<16xf32>
          %scan3A_147 = arith.constant 0 : i32
          %scan3A_148 = arith.constant 16 : i32
          %scan3A_149 = arith.addi %scan3A_147, %scan3A_148 : i32
          %scan3A_150 = arith.constant 4 : i32
          %scan3A_151 = scf.for %scan3A_165 = %scan3A_147 to %scan3A_149 step %scan3A_150 iter_args(%scan3A_166 = %broadcast_in_dim3A_146) -> (vector<16xf32>)  : i32 {
            %add3A_167 = arith.addi %add3A_145, %scan3A_165 : i32
            %get3A = arith.index_cast %add3A_167 : i32 to index
            %get3A_168 = arith.constant 0 : index
            %get3A_169 = tpu.vector_load %arg9[%get3A, %get3A_168] {strides = array<i32>} : memref<408x128xf32, #tpu.memory_space<vmem>>, vector<16xf32>,
            %get3A_170 = arith.index_cast %add3A_167 : i32 to index
            %get3A_171 = arith.constant 0 : index
            %get3A_172 = tpu.vector_load %arg10[%get3A_170, %get3A_171] {strides = array<i32>} : memref<408x128xf32, #tpu.memory_space<vmem>>, vector<16xf32>,
            %mul3A_173 = arith.mulf %get3A_169, %get3A_172 : vector<16xf32>
            %get3A_174 = arith.index_cast %add3A_167 : i32 to index
            %get3A_175 = arith.constant 16 : index
            %get3A_176 = tpu.vector_load %arg9[%get3A_174, %get3A_175] {strides = array<i32>} : memref<408x128xf32, #tpu.memory_space<vmem>>, vector<16xf32>,
            %get3A_177 = arith.index_cast %add3A_167 : i32 to index
            %get3A_178 = arith.constant 16 : index
            %get3A_179 = tpu.vector_load %arg10[%get3A_177, %get3A_178] {strides = array<i32>} : memref<408x128xf32, #tpu.memory_space<vmem>>, vector<16xf32>,
            %mul3A_180 = arith.mulf %get3A_176, %get3A_179 : vector<16xf32>
            %get3A_181 = arith.index_cast %add3A_167 : i32 to index
            %get3A_182 = arith.constant 32 : index
            %get3A_183 = tpu.vector_load %arg9[%get3A_181, %get3A_182] {strides = array<i32>} : memref<408x128xf32, #tpu.memory_space<vmem>>, vector<16xf32>,
            %get3A_184 = arith.index_cast %add3A_167 : i32 to index
            %get3A_185 = arith.constant 32 : index
            %get3A_186 = tpu.vector_load %arg10[%get3A_184, %get3A_185] {strides = array<i32>} : memref<408x128xf32, #tpu.memory_space<vmem>>, vector<16xf32>,
            %mul3A_187 = arith.mulf %get3A_183, %get3A_186 : vector<16xf32>
            %get3A_188 = arith.index_cast %add3A_167 : i32 to index
            %get3A_189 = arith.constant 48 : index
            %get3A_190 = tpu.vector_load %arg9[%get3A_188, %get3A_189] {strides = array<i32>} : memref<408x128xf32, #tpu.memory_space<vmem>>, vector<16xf32>,
            %get3A_191 = arith.index_cast %add3A_167 : i32 to index
            %get3A_192 = arith.constant 48 : index
            %get3A_193 = tpu.vector_load %arg10[%get3A_191, %get3A_192] {strides = array<i32>} : memref<408x128xf32, #tpu.memory_space<vmem>>, vector<16xf32>,
            %mul3A_194 = arith.mulf %get3A_190, %get3A_193 : vector<16xf32>
            %get3A_195 = arith.index_cast %add3A_167 : i32 to index
            %get3A_196 = arith.constant 64 : index
            %get3A_197 = tpu.vector_load %arg9[%get3A_195, %get3A_196] {strides = array<i32>} : memref<408x128xf32, #tpu.memory_space<vmem>>, vector<16xf32>,
            %get3A_198 = arith.index_cast %add3A_167 : i32 to index
            %get3A_199 = arith.constant 64 : index
            %get3A_200 = tpu.vector_load %arg10[%get3A_198, %get3A_199] {strides = array<i32>} : memref<408x128xf32, #tpu.memory_space<vmem>>, vector<16xf32>,
            %mul3A_201 = arith.mulf %get3A_197, %get3A_200 : vector<16xf32>
            %get3A_202 = arith.index_cast %add3A_167 : i32 to index
            %get3A_203 = arith.constant 80 : index
            %get3A_204 = tpu.vector_load %arg9[%get3A_202, %get3A_203] {strides = array<i32>} : memref<408x128xf32, #tpu.memory_space<vmem>>, vector<16xf32>,
            %get3A_205 = arith.index_cast %add3A_167 : i32 to index
            %get3A_206 = arith.constant 80 : index
            %get3A_207 = tpu.vector_load %arg10[%get3A_205, %get3A_206] {strides = array<i32>} : memref<408x128xf32, #tpu.memory_space<vmem>>, vector<16xf32>,
            %mul3A_208 = arith.mulf %get3A_204, %get3A_207 : vector<16xf32>
            %get3A_209 = arith.index_cast %add3A_167 : i32 to index
            %get3A_210 = arith.constant 96 : index
            %get3A_211 = tpu.vector_load %arg9[%get3A_209, %get3A_210] {strides = array<i32>} : memref<408x128xf32, #tpu.memory_space<vmem>>, vector<16xf32>,
            %get3A_212 = arith.index_cast %add3A_167 : i32 to index
            %get3A_213 = arith.constant 96 : index
            %get3A_214 = tpu.vector_load %arg10[%get3A_212, %get3A_213] {strides = array<i32>} : memref<408x128xf32, #tpu.memory_space<vmem>>, vector<16xf32>,
            %mul3A_215 = arith.mulf %get3A_211, %get3A_214 : vector<16xf32>
            %get3A_216 = arith.index_cast %add3A_167 : i32 to index
            %get3A_217 = arith.constant 112 : index
            %get3A_218 = tpu.vector_load %arg9[%get3A_216, %get3A_217] {strides = array<i32>} : memref<408x128xf32, #tpu.memory_space<vmem>>, vector<16xf32>,
            %get3A_219 = arith.index_cast %add3A_167 : i32 to index
            %get3A_220 = arith.constant 112 : index
            %get3A_221 = tpu.vector_load %arg10[%get3A_219, %get3A_220] {strides = array<i32>} : memref<408x128xf32, #tpu.memory_space<vmem>>, vector<16xf32>,
            %mul3A_222 = arith.mulf %get3A_218, %get3A_221 : vector<16xf32>
            %add3A_223 = arith.addf %mul3A_173, %mul3A_180 : vector<16xf32>
            %add3A_224 = arith.addf %mul3A_187, %mul3A_194 : vector<16xf32>
            %add3A_225 = arith.addf %mul3A_201, %mul3A_208 : vector<16xf32>
            %add3A_226 = arith.addf %mul3A_215, %mul3A_222 : vector<16xf32>
            %add3A_227 = arith.addf %add3A_223, %add3A_224 : vector<16xf32>
            %add3A_228 = arith.addf %add3A_225, %add3A_226 : vector<16xf32>
            %add3A_229 = arith.addf %add3A_227, %add3A_228 : vector<16xf32>
            %eq3A = vector.broadcast %scan3A_165 : i32 to vector<16xi32>
            %eq3A_230 = arith.cmpi eq, %iota3A, %eq3A : vector<16xi32>
            %reduce_sum3A = arith.constant true
            %reduce_sum3A_231 = vector.broadcast %reduce_sum3A : i1 to vector<16xi1>
            %reduce_sum3A_232 = tpu.scan <sum>, %add3A_229 masked %reduce_sum3A_231 : vector<16xf32>, vector<16xi1> -> vector<16xf32>
            %reduce_sum3A_233 = vector.extract %reduce_sum3A_232[15] : f32 from vector<16xf32>
            %broadcast_in_dim3A_234 = vector.broadcast %reduce_sum3A_233 : f32 to vector<16xf32>
            %select_n3A = arith.select %eq3A_230, %broadcast_in_dim3A_234, %scan3A_166 : vector<16xi1>, vector<16xf32>
            %scan3A_235 = arith.constant 1 : i32
            %scan3A_236 = arith.addi %scan3A_165, %scan3A_235 : i32
            %add3A_237 = arith.addi %add3A_145, %scan3A_236 : i32
            %get3A_238 = arith.index_cast %add3A_237 : i32 to index
            %get3A_239 = arith.constant 0 : index
            %get3A_240 = tpu.vector_load %arg9[%get3A_238, %get3A_239] {strides = array<i32>} : memref<408x128xf32, #tpu.memory_space<vmem>>, vector<16xf32>,
            %get3A_241 = arith.index_cast %add3A_237 : i32 to index
            %get3A_242 = arith.constant 0 : index
            %get3A_243 = tpu.vector_load %arg10[%get3A_241, %get3A_242] {strides = array<i32>} : memref<408x128xf32, #tpu.memory_space<vmem>>, vector<16xf32>,
            %mul3A_244 = arith.mulf %get3A_240, %get3A_243 : vector<16xf32>
            %get3A_245 = arith.index_cast %add3A_237 : i32 to index
            %get3A_246 = arith.constant 16 : index
            %get3A_247 = tpu.vector_load %arg9[%get3A_245, %get3A_246] {strides = array<i32>} : memref<408x128xf32, #tpu.memory_space<vmem>>, vector<16xf32>,
            %get3A_248 = arith.index_cast %add3A_237 : i32 to index
            %get3A_249 = arith.constant 16 : index
            %get3A_250 = tpu.vector_load %arg10[%get3A_248, %get3A_249] {strides = array<i32>} : memref<408x128xf32, #tpu.memory_space<vmem>>, vector<16xf32>,
            %mul3A_251 = arith.mulf %get3A_247, %get3A_250 : vector<16xf32>
            %get3A_252 = arith.index_cast %add3A_237 : i32 to index
            %get3A_253 = arith.constant 32 : index
            %get3A_254 = tpu.vector_load %arg9[%get3A_252, %get3A_253] {strides = array<i32>} : memref<408x128xf32, #tpu.memory_space<vmem>>, vector<16xf32>,
            %get3A_255 = arith.index_cast %add3A_237 : i32 to index
            %get3A_256 = arith.constant 32 : index
            %get3A_257 = tpu.vector_load %arg10[%get3A_255, %get3A_256] {strides = array<i32>} : memref<408x128xf32, #tpu.memory_space<vmem>>, vector<16xf32>,
            %mul3A_258 = arith.mulf %get3A_254, %get3A_257 : vector<16xf32>
            %get3A_259 = arith.index_cast %add3A_237 : i32 to index
            %get3A_260 = arith.constant 48 : index
            %get3A_261 = tpu.vector_load %arg9[%get3A_259, %get3A_260] {strides = array<i32>} : memref<408x128xf32, #tpu.memory_space<vmem>>, vector<16xf32>,
            %get3A_262 = arith.index_cast %add3A_237 : i32 to index
            %get3A_263 = arith.constant 48 : index
            %get3A_264 = tpu.vector_load %arg10[%get3A_262, %get3A_263] {strides = array<i32>} : memref<408x128xf32, #tpu.memory_space<vmem>>, vector<16xf32>,
            %mul3A_265 = arith.mulf %get3A_261, %get3A_264 : vector<16xf32>
            %get3A_266 = arith.index_cast %add3A_237 : i32 to index
            %get3A_267 = arith.constant 64 : index
            %get3A_268 = tpu.vector_load %arg9[%get3A_266, %get3A_267] {strides = array<i32>} : memref<408x128xf32, #tpu.memory_space<vmem>>, vector<16xf32>,
            %get3A_269 = arith.index_cast %add3A_237 : i32 to index
            %get3A_270 = arith.constant 64 : index
            %get3A_271 = tpu.vector_load %arg10[%get3A_269, %get3A_270] {strides = array<i32>} : memref<408x128xf32, #tpu.memory_space<vmem>>, vector<16xf32>,
            %mul3A_272 = arith.mulf %get3A_268, %get3A_271 : vector<16xf32>
            %get3A_273 = arith.index_cast %add3A_237 : i32 to index
            %get3A_274 = arith.constant 80 : index
            %get3A_275 = tpu.vector_load %arg9[%get3A_273, %get3A_274] {strides = array<i32>} : memref<408x128xf32, #tpu.memory_space<vmem>>, vector<16xf32>,
            %get3A_276 = arith.index_cast %add3A_237 : i32 to index
            %get3A_277 = arith.constant 80 : index
            %get3A_278 = tpu.vector_load %arg10[%get3A_276, %get3A_277] {strides = array<i32>} : memref<408x128xf32, #tpu.memory_space<vmem>>, vector<16xf32>,
            %mul3A_279 = arith.mulf %get3A_275, %get3A_278 : vector<16xf32>
            %get3A_280 = arith.index_cast %add3A_237 : i32 to index
            %get3A_281 = arith.constant 96 : index
            %get3A_282 = tpu.vector_load %arg9[%get3A_280, %get3A_281] {strides = array<i32>} : memref<408x128xf32, #tpu.memory_space<vmem>>, vector<16xf32>,
            %get3A_283 = arith.index_cast %add3A_237 : i32 to index
            %get3A_284 = arith.constant 96 : index
            %get3A_285 = tpu.vector_load %arg10[%get3A_283, %get3A_284] {strides = array<i32>} : memref<408x128xf32, #tpu.memory_space<vmem>>, vector<16xf32>,
            %mul3A_286 = arith.mulf %get3A_282, %get3A_285 : vector<16xf32>
            %get3A_287 = arith.index_cast %add3A_237 : i32 to index
            %get3A_288 = arith.constant 112 : index
            %get3A_289 = tpu.vector_load %arg9[%get3A_287, %get3A_288] {strides = array<i32>} : memref<408x128xf32, #tpu.memory_space<vmem>>, vector<16xf32>,
            %get3A_290 = arith.index_cast %add3A_237 : i32 to index
            %get3A_291 = arith.constant 112 : index
            %get3A_292 = tpu.vector_load %arg10[%get3A_290, %get3A_291] {strides = array<i32>} : memref<408x128xf32, #tpu.memory_space<vmem>>, vector<16xf32>,
            %mul3A_293 = arith.mulf %get3A_289, %get3A_292 : vector<16xf32>
            %add3A_294 = arith.addf %mul3A_244, %mul3A_251 : vector<16xf32>
            %add3A_295 = arith.addf %mul3A_258, %mul3A_265 : vector<16xf32>
            %add3A_296 = arith.addf %mul3A_272, %mul3A_279 : vector<16xf32>
            %add3A_297 = arith.addf %mul3A_286, %mul3A_293 : vector<16xf32>
            %add3A_298 = arith.addf %add3A_294, %add3A_295 : vector<16xf32>
            %add3A_299 = arith.addf %add3A_296, %add3A_297 : vector<16xf32>
            %add3A_300 = arith.addf %add3A_298, %add3A_299 : vector<16xf32>
            %eq3A_301 = vector.broadcast %scan3A_236 : i32 to vector<16xi32>
            %eq3A_302 = arith.cmpi eq, %iota3A, %eq3A_301 : vector<16xi32>
            %reduce_sum3A_303 = arith.constant true
            %reduce_sum3A_304 = vector.broadcast %reduce_sum3A_303 : i1 to vector<16xi1>
            %reduce_sum3A_305 = tpu.scan <sum>, %add3A_300 masked %reduce_sum3A_304 : vector<16xf32>, vector<16xi1> -> vector<16xf32>
            %reduce_sum3A_306 = vector.extract %reduce_sum3A_305[15] : f32 from vector<16xf32>
            %broadcast_in_dim3A_307 = vector.broadcast %reduce_sum3A_306 : f32 to vector<16xf32>
            %select_n3A_308 = arith.select %eq3A_302, %broadcast_in_dim3A_307, %select_n3A : vector<16xi1>, vector<16xf32>
            %scan3A_309 = arith.constant 2 : i32
            %scan3A_310 = arith.addi %scan3A_165, %scan3A_309 : i32
            %add3A_311 = arith.addi %add3A_145, %scan3A_310 : i32
            %get3A_312 = arith.index_cast %add3A_311 : i32 to index
            %get3A_313 = arith.constant 0 : index
            %get3A_314 = tpu.vector_load %arg9[%get3A_312, %get3A_313] {strides = array<i32>} : memref<408x128xf32, #tpu.memory_space<vmem>>, vector<16xf32>,
            %get3A_315 = arith.index_cast %add3A_311 : i32 to index
            %get3A_316 = arith.constant 0 : index
            %get3A_317 = tpu.vector_load %arg10[%get3A_315, %get3A_316] {strides = array<i32>} : memref<408x128xf32, #tpu.memory_space<vmem>>, vector<16xf32>,
            %mul3A_318 = arith.mulf %get3A_314, %get3A_317 : vector<16xf32>
            %get3A_319 = arith.index_cast %add3A_311 : i32 to index
            %get3A_320 = arith.constant 16 : index
            %get3A_321 = tpu.vector_load %arg9[%get3A_319, %get3A_320] {strides = array<i32>} : memref<408x128xf32, #tpu.memory_space<vmem>>, vector<16xf32>,
            %get3A_322 = arith.index_cast %add3A_311 : i32 to index
            %get3A_323 = arith.constant 16 : index
            %get3A_324 = tpu.vector_load %arg10[%get3A_322, %get3A_323] {strides = array<i32>} : memref<408x128xf32, #tpu.memory_space<vmem>>, vector<16xf32>,
            %mul3A_325 = arith.mulf %get3A_321, %get3A_324 : vector<16xf32>
            %get3A_326 = arith.index_cast %add3A_311 : i32 to index
            %get3A_327 = arith.constant 32 : index
            %get3A_328 = tpu.vector_load %arg9[%get3A_326, %get3A_327] {strides = array<i32>} : memref<408x128xf32, #tpu.memory_space<vmem>>, vector<16xf32>,
            %get3A_329 = arith.index_cast %add3A_311 : i32 to index
            %get3A_330 = arith.constant 32 : index
            %get3A_331 = tpu.vector_load %arg10[%get3A_329, %get3A_330] {strides = array<i32>} : memref<408x128xf32, #tpu.memory_space<vmem>>, vector<16xf32>,
            %mul3A_332 = arith.mulf %get3A_328, %get3A_331 : vector<16xf32>
            %get3A_333 = arith.index_cast %add3A_311 : i32 to index
            %get3A_334 = arith.constant 48 : index
            %get3A_335 = tpu.vector_load %arg9[%get3A_333, %get3A_334] {strides = array<i32>} : memref<408x128xf32, #tpu.memory_space<vmem>>, vector<16xf32>,
            %get3A_336 = arith.index_cast %add3A_311 : i32 to index
            %get3A_337 = arith.constant 48 : index
            %get3A_338 = tpu.vector_load %arg10[%get3A_336, %get3A_337] {strides = array<i32>} : memref<408x128xf32, #tpu.memory_space<vmem>>, vector<16xf32>,
            %mul3A_339 = arith.mulf %get3A_335, %get3A_338 : vector<16xf32>
            %get3A_340 = arith.index_cast %add3A_311 : i32 to index
            %get3A_341 = arith.constant 64 : index
            %get3A_342 = tpu.vector_load %arg9[%get3A_340, %get3A_341] {strides = array<i32>} : memref<408x128xf32, #tpu.memory_space<vmem>>, vector<16xf32>,
            %get3A_343 = arith.index_cast %add3A_311 : i32 to index
            %get3A_344 = arith.constant 64 : index
            %get3A_345 = tpu.vector_load %arg10[%get3A_343, %get3A_344] {strides = array<i32>} : memref<408x128xf32, #tpu.memory_space<vmem>>, vector<16xf32>,
            %mul3A_346 = arith.mulf %get3A_342, %get3A_345 : vector<16xf32>
            %get3A_347 = arith.index_cast %add3A_311 : i32 to index
            %get3A_348 = arith.constant 80 : index
            %get3A_349 = tpu.vector_load %arg9[%get3A_347, %get3A_348] {strides = array<i32>} : memref<408x128xf32, #tpu.memory_space<vmem>>, vector<16xf32>,
            %get3A_350 = arith.index_cast %add3A_311 : i32 to index
            %get3A_351 = arith.constant 80 : index
            %get3A_352 = tpu.vector_load %arg10[%get3A_350, %get3A_351] {strides = array<i32>} : memref<408x128xf32, #tpu.memory_space<vmem>>, vector<16xf32>,
            %mul3A_353 = arith.mulf %get3A_349, %get3A_352 : vector<16xf32>
            %get3A_354 = arith.index_cast %add3A_311 : i32 to index
            %get3A_355 = arith.constant 96 : index
            %get3A_356 = tpu.vector_load %arg9[%get3A_354, %get3A_355] {strides = array<i32>} : memref<408x128xf32, #tpu.memory_space<vmem>>, vector<16xf32>,
            %get3A_357 = arith.index_cast %add3A_311 : i32 to index
            %get3A_358 = arith.constant 96 : index
            %get3A_359 = tpu.vector_load %arg10[%get3A_357, %get3A_358] {strides = array<i32>} : memref<408x128xf32, #tpu.memory_space<vmem>>, vector<16xf32>,
            %mul3A_360 = arith.mulf %get3A_356, %get3A_359 : vector<16xf32>
            %get3A_361 = arith.index_cast %add3A_311 : i32 to index
            %get3A_362 = arith.constant 112 : index
            %get3A_363 = tpu.vector_load %arg9[%get3A_361, %get3A_362] {strides = array<i32>} : memref<408x128xf32, #tpu.memory_space<vmem>>, vector<16xf32>,
            %get3A_364 = arith.index_cast %add3A_311 : i32 to index
            %get3A_365 = arith.constant 112 : index
            %get3A_366 = tpu.vector_load %arg10[%get3A_364, %get3A_365] {strides = array<i32>} : memref<408x128xf32, #tpu.memory_space<vmem>>, vector<16xf32>,
            %mul3A_367 = arith.mulf %get3A_363, %get3A_366 : vector<16xf32>
            %add3A_368 = arith.addf %mul3A_318, %mul3A_325 : vector<16xf32>
            %add3A_369 = arith.addf %mul3A_332, %mul3A_339 : vector<16xf32>
            %add3A_370 = arith.addf %mul3A_346, %mul3A_353 : vector<16xf32>
            %add3A_371 = arith.addf %mul3A_360, %mul3A_367 : vector<16xf32>
            %add3A_372 = arith.addf %add3A_368, %add3A_369 : vector<16xf32>
            %add3A_373 = arith.addf %add3A_370, %add3A_371 : vector<16xf32>
            %add3A_374 = arith.addf %add3A_372, %add3A_373 : vector<16xf32>
            %eq3A_375 = vector.broadcast %scan3A_310 : i32 to vector<16xi32>
            %eq3A_376 = arith.cmpi eq, %iota3A, %eq3A_375 : vector<16xi32>
            %reduce_sum3A_377 = arith.constant true
            %reduce_sum3A_378 = vector.broadcast %reduce_sum3A_377 : i1 to vector<16xi1>
            %reduce_sum3A_379 = tpu.scan <sum>, %add3A_374 masked %reduce_sum3A_378 : vector<16xf32>, vector<16xi1> -> vector<16xf32>
            %reduce_sum3A_380 = vector.extract %reduce_sum3A_379[15] : f32 from vector<16xf32>
            %broadcast_in_dim3A_381 = vector.broadcast %reduce_sum3A_380 : f32 to vector<16xf32>
            %select_n3A_382 = arith.select %eq3A_376, %broadcast_in_dim3A_381, %select_n3A_308 : vector<16xi1>, vector<16xf32>
            %scan3A_383 = arith.constant 3 : i32
            %scan3A_384 = arith.addi %scan3A_165, %scan3A_383 : i32
            %add3A_385 = arith.addi %add3A_145, %scan3A_384 : i32
            %get3A_386 = arith.index_cast %add3A_385 : i32 to index
            %get3A_387 = arith.constant 0 : index
            %get3A_388 = tpu.vector_load %arg9[%get3A_386, %get3A_387] {strides = array<i32>} : memref<408x128xf32, #tpu.memory_space<vmem>>, vector<16xf32>,
            %get3A_389 = arith.index_cast %add3A_385 : i32 to index
            %get3A_390 = arith.constant 0 : index
            %get3A_391 = tpu.vector_load %arg10[%get3A_389, %get3A_390] {strides = array<i32>} : memref<408x128xf32, #tpu.memory_space<vmem>>, vector<16xf32>,
            %mul3A_392 = arith.mulf %get3A_388, %get3A_391 : vector<16xf32>
            %get3A_393 = arith.index_cast %add3A_385 : i32 to index
            %get3A_394 = arith.constant 16 : index
            %get3A_395 = tpu.vector_load %arg9[%get3A_393, %get3A_394] {strides = array<i32>} : memref<408x128xf32, #tpu.memory_space<vmem>>, vector<16xf32>,
            %get3A_396 = arith.index_cast %add3A_385 : i32 to index
            %get3A_397 = arith.constant 16 : index
            %get3A_398 = tpu.vector_load %arg10[%get3A_396, %get3A_397] {strides = array<i32>} : memref<408x128xf32, #tpu.memory_space<vmem>>, vector<16xf32>,
            %mul3A_399 = arith.mulf %get3A_395, %get3A_398 : vector<16xf32>
            %get3A_400 = arith.index_cast %add3A_385 : i32 to index
            %get3A_401 = arith.constant 32 : index
            %get3A_402 = tpu.vector_load %arg9[%get3A_400, %get3A_401] {strides = array<i32>} : memref<408x128xf32, #tpu.memory_space<vmem>>, vector<16xf32>,
            %get3A_403 = arith.index_cast %add3A_385 : i32 to index
            %get3A_404 = arith.constant 32 : index
            %get3A_405 = tpu.vector_load %arg10[%get3A_403, %get3A_404] {strides = array<i32>} : memref<408x128xf32, #tpu.memory_space<vmem>>, vector<16xf32>,
            %mul3A_406 = arith.mulf %get3A_402, %get3A_405 : vector<16xf32>
            %get3A_407 = arith.index_cast %add3A_385 : i32 to index
            %get3A_408 = arith.constant 48 : index
            %get3A_409 = tpu.vector_load %arg9[%get3A_407, %get3A_408] {strides = array<i32>} : memref<408x128xf32, #tpu.memory_space<vmem>>, vector<16xf32>,
            %get3A_410 = arith.index_cast %add3A_385 : i32 to index
            %get3A_411 = arith.constant 48 : index
            %get3A_412 = tpu.vector_load %arg10[%get3A_410, %get3A_411] {strides = array<i32>} : memref<408x128xf32, #tpu.memory_space<vmem>>, vector<16xf32>,
            %mul3A_413 = arith.mulf %get3A_409, %get3A_412 : vector<16xf32>
            %get3A_414 = arith.index_cast %add3A_385 : i32 to index
            %get3A_415 = arith.constant 64 : index
            %get3A_416 = tpu.vector_load %arg9[%get3A_414, %get3A_415] {strides = array<i32>} : memref<408x128xf32, #tpu.memory_space<vmem>>, vector<16xf32>,
            %get3A_417 = arith.index_cast %add3A_385 : i32 to index
            %get3A_418 = arith.constant 64 : index
            %get3A_419 = tpu.vector_load %arg10[%get3A_417, %get3A_418] {strides = array<i32>} : memref<408x128xf32, #tpu.memory_space<vmem>>, vector<16xf32>,
            %mul3A_420 = arith.mulf %get3A_416, %get3A_419 : vector<16xf32>
            %get3A_421 = arith.index_cast %add3A_385 : i32 to index
            %get3A_422 = arith.constant 80 : index
            %get3A_423 = tpu.vector_load %arg9[%get3A_421, %get3A_422] {strides = array<i32>} : memref<408x128xf32, #tpu.memory_space<vmem>>, vector<16xf32>,
            %get3A_424 = arith.index_cast %add3A_385 : i32 to index
            %get3A_425 = arith.constant 80 : index
            %get3A_426 = tpu.vector_load %arg10[%get3A_424, %get3A_425] {strides = array<i32>} : memref<408x128xf32, #tpu.memory_space<vmem>>, vector<16xf32>,
            %mul3A_427 = arith.mulf %get3A_423, %get3A_426 : vector<16xf32>
            %get3A_428 = arith.index_cast %add3A_385 : i32 to index
            %get3A_429 = arith.constant 96 : index
            %get3A_430 = tpu.vector_load %arg9[%get3A_428, %get3A_429] {strides = array<i32>} : memref<408x128xf32, #tpu.memory_space<vmem>>, vector<16xf32>,
            %get3A_431 = arith.index_cast %add3A_385 : i32 to index
            %get3A_432 = arith.constant 96 : index
            %get3A_433 = tpu.vector_load %arg10[%get3A_431, %get3A_432] {strides = array<i32>} : memref<408x128xf32, #tpu.memory_space<vmem>>, vector<16xf32>,
            %mul3A_434 = arith.mulf %get3A_430, %get3A_433 : vector<16xf32>
            %get3A_435 = arith.index_cast %add3A_385 : i32 to index
            %get3A_436 = arith.constant 112 : index
            %get3A_437 = tpu.vector_load %arg9[%get3A_435, %get3A_436] {strides = array<i32>} : memref<408x128xf32, #tpu.memory_space<vmem>>, vector<16xf32>,
            %get3A_438 = arith.index_cast %add3A_385 : i32 to index
            %get3A_439 = arith.constant 112 : index
            %get3A_440 = tpu.vector_load %arg10[%get3A_438, %get3A_439] {strides = array<i32>} : memref<408x128xf32, #tpu.memory_space<vmem>>, vector<16xf32>,
            %mul3A_441 = arith.mulf %get3A_437, %get3A_440 : vector<16xf32>
            %add3A_442 = arith.addf %mul3A_392, %mul3A_399 : vector<16xf32>
            %add3A_443 = arith.addf %mul3A_406, %mul3A_413 : vector<16xf32>
            %add3A_444 = arith.addf %mul3A_420, %mul3A_427 : vector<16xf32>
            %add3A_445 = arith.addf %mul3A_434, %mul3A_441 : vector<16xf32>
            %add3A_446 = arith.addf %add3A_442, %add3A_443 : vector<16xf32>
            %add3A_447 = arith.addf %add3A_444, %add3A_445 : vector<16xf32>
            %add3A_448 = arith.addf %add3A_446, %add3A_447 : vector<16xf32>
            %eq3A_449 = vector.broadcast %scan3A_384 : i32 to vector<16xi32>
            %eq3A_450 = arith.cmpi eq, %iota3A, %eq3A_449 : vector<16xi32>
            %reduce_sum3A_451 = arith.constant true
            %reduce_sum3A_452 = vector.broadcast %reduce_sum3A_451 : i1 to vector<16xi1>
            %reduce_sum3A_453 = tpu.scan <sum>, %add3A_448 masked %reduce_sum3A_452 : vector<16xf32>, vector<16xi1> -> vector<16xf32>
            %reduce_sum3A_454 = vector.extract %reduce_sum3A_453[15] : f32 from vector<16xf32>
            %broadcast_in_dim3A_455 = vector.broadcast %reduce_sum3A_454 : f32 to vector<16xf32>
            %select_n3A_456 = arith.select %eq3A_450, %broadcast_in_dim3A_455, %select_n3A_382 : vector<16xi1>, vector<16xf32>
            scf.yield %select_n3A_456 : vector<16xf32>
          }
          %scan3A_152 = arith.constant 16 : i32
          %neg3A = arith.constant 0.000000e+00 : f32
          %neg3A_153 = vector.broadcast %neg3A : f32 to vector<16xf32>
          %neg3A_154 = arith.subf %neg3A_153, %scan3A_151 : vector<16xf32>
          %exp3A = math.exp %neg3A_154 : vector<16xf32>
          %add3A_155 = arith.constant 1.000000e+00 : f32
          %add3A_156 = vector.broadcast %add3A_155 : f32 to vector<16xf32>
          %add3A_157 = arith.addf %add3A_156, %exp3A : vector<16xf32>
          %div3A = arith.constant 1.000000e+00 : f32
          %div3A_158 = vector.broadcast %div3A : f32 to vector<16xf32>
          %div3A_159 = arith.divf %div3A_158, %add3A_157 : vector<16xf32>
          %mul3A_160 = arith.constant 16 : i32
          %mul3A_161 = arith.muli %scan3A_141, %mul3A_160 : i32
          %add3A_162 = arith.constant 208 : i32
          %add3A_163 = arith.addi %add3A_162, %mul3A_161 : i32
          %swap3A = arith.index_cast %add3A_163 : i32 to index
          %swap3A_164 = tpu.vector_load %arg11[%swap3A] {strides = array<i32>} : memref<416xf32, #tpu.memory_space<vmem>>, vector<16xf32>,
          tpu.vector_store %arg11[%swap3A], %div3A_159 {strides = array<i32>} : memref<416xf32, #tpu.memory_space<vmem>>, vector<16xf32>,
        }
        %scan3A_131 = arith.constant 13 : i32
        %mul3A_132 = arith.constant 200 : i32
        %mul3A_133 = arith.muli %add3A_64, %mul3A_132 : i32
        %add3A_134 = arith.addi %mul3A_2, %mul3A_133 : i32
        %dma_start3A_135 = arith.constant 208 : i32
        %dma_start3A_136 = tpu.memref_slice %arg11[%dma_start3A_135] : memref<416xf32, #tpu.memory_space<vmem>> -> memref<200xf32, #tpu.memory_space<vmem>>
        %dma_start3A_137 = tpu.memref_slice %arg6[%add3A_134] : memref<320000xf32, #tpu.memory_space<hbm>> -> memref<200xf32, #tpu.memory_space<hbm>>
        %dma_start3A_138 = tpu.memref_slice %arg6[%add3A_134] : memref<320000xf32, #tpu.memory_space<hbm>> -> memref<200xf32, #tpu.memory_space<hbm>>
        %dma_start3A_139 = arith.constant 208 : i32
        %dma_start3A_140 = tpu.memref_slice %arg11[%dma_start3A_139] : memref<416xf32, #tpu.memory_space<vmem>> -> memref<200xf32, #tpu.memory_space<vmem>>
        tpu.enqueue_dma source(%dma_start3A_140 : memref<200xf32, #tpu.memory_space<vmem>>) target(%dma_start3A_138 : memref<200xf32, #tpu.memory_space<hbm>>) target_semaphore(%arg17 : memref<!tpu.dma_semaphore, #tpu.memory_space<semaphore_mem>>)
      } else {
      }
    }
    %scan3A_38 = arith.constant 25 : i32
    %add3A_39 = arith.constant 9600 : i32
    %add3A_40 = arith.addi %mul3A_2, %add3A_39 : i32
    %dma_wait3A = arith.constant 0 : i32
    %dma_wait3A_41 = tpu.memref_slice %arg11[%dma_wait3A] : memref<416xf32, #tpu.memory_space<vmem>> -> memref<200xf32, #tpu.memory_space<vmem>>
    %dma_wait3A_42 = tpu.memref_slice %arg6[%add3A_40] : memref<320000xf32, #tpu.memory_space<hbm>> -> memref<200xf32, #tpu.memory_space<hbm>>
    %dma_wait3A_43 = tpu.memref_slice %arg6[%add3A_40] : memref<320000xf32, #tpu.memory_space<hbm>> -> memref<200xf32, #tpu.memory_space<hbm>>
    %dma_wait3A_44 = arith.constant 0 : i32
    %dma_wait3A_45 = tpu.memref_slice %arg11[%dma_wait3A_44] : memref<416xf32, #tpu.memory_space<vmem>> -> memref<200xf32, #tpu.memory_space<vmem>>
    tpu.wait_dma2 semaphore(%arg16 : memref<!tpu.dma_semaphore, #tpu.memory_space<semaphore_mem>>) src(%dma_wait3A_45 : memref<200xf32, #tpu.memory_space<vmem>>) dst(%dma_wait3A_43 : memref<200xf32, #tpu.memory_space<hbm>>)
    %add3A_46 = arith.constant 9800 : i32
    %add3A_47 = arith.addi %mul3A_2, %add3A_46 : i32
    %dma_wait3A_48 = arith.constant 208 : i32
    %dma_wait3A_49 = tpu.memref_slice %arg11[%dma_wait3A_48] : memref<416xf32, #tpu.memory_space<vmem>> -> memref<200xf32, #tpu.memory_space<vmem>>
    %dma_wait3A_50 = tpu.memref_slice %arg6[%add3A_47] : memref<320000xf32, #tpu.memory_space<hbm>> -> memref<200xf32, #tpu.memory_space<hbm>>
    %dma_wait3A_51 = tpu.memref_slice %arg6[%add3A_47] : memref<320000xf32, #tpu.memory_space<hbm>> -> memref<200xf32, #tpu.memory_space<hbm>>
    %dma_wait3A_52 = arith.constant 208 : i32
    %dma_wait3A_53 = tpu.memref_slice %arg11[%dma_wait3A_52] : memref<416xf32, #tpu.memory_space<vmem>> -> memref<200xf32, #tpu.memory_space<vmem>>
    tpu.wait_dma2 semaphore(%arg17 : memref<!tpu.dma_semaphore, #tpu.memory_space<semaphore_mem>>) src(%dma_wait3A_53 : memref<200xf32, #tpu.memory_space<vmem>>) dst(%dma_wait3A_51 : memref<200xf32, #tpu.memory_space<hbm>>)
    return
  }
}

module attributes {stable_mosaic.version = 14 : i64} {
  func.func @_zw_body(%arg0: memref<10000x128xf32, #tpu.memory_space<vmem>>, %arg1: memref<128x128xf32, #tpu.memory_space<vmem>>, %arg2: memref<10000x128xf32, #tpu.memory_space<vmem>>) attributes {dimension_semantics = [], scalar_prefetch = 0 : i64, scratch_operands = 0 : i64, tpu.core_type = #tpu.core_type<tc>} {
    %get3A = arith.constant 0 : index
    %get3A_0 = arith.constant 0 : index
    %get3A_1 = vector.load %arg1[%get3A, %get3A_0] : memref<128x128xf32, #tpu.memory_space<vmem>>, vector<128x128xf32>
    %get3A_2 = arith.constant 0 : index
    %get3A_3 = arith.constant 0 : index
    %get3A_4 = vector.load %arg0[%get3A_2, %get3A_3] : memref<10000x128xf32, #tpu.memory_space<vmem>>, vector<10000x128xf32>
    %dot_general3A = arith.constant dense<0.000000e+00> : vector<10000x128xf32>
    %dot_general3A_5 = tpu.matmul %get3A_4, %get3A_1, %dot_general3A {dimension_numbers = #tpu.dot_dimension_numbers<[1], [0], [0], [1], [0, 0, 1, 1], [], []>, transpose_lhs_hint = false} : vector<10000x128xf32>, vector<128x128xf32>, vector<10000x128xf32> -> vector<10000x128xf32>
    %get3A_6 = arith.constant 0 : index
    %get3A_7 = arith.constant 0 : index
    %get3A_8 = vector.load %arg0[%get3A_6, %get3A_7] : memref<10000x128xf32, #tpu.memory_space<vmem>>, vector<10000x128xf32>
    %dot_general3A_9 = arith.constant dense<0.000000e+00> : vector<10000x128xf32>
    %dot_general3A_10 = tpu.matmul %get3A_8, %get3A_1, %dot_general3A_9 {dimension_numbers = #tpu.dot_dimension_numbers<[1], [1], [0], [0], [0, 0, 1, 0], [], []>, transpose_lhs_hint = false} : vector<10000x128xf32>, vector<128x128xf32>, vector<10000x128xf32> -> vector<10000x128xf32>
    %add3A = arith.addf %dot_general3A_5, %dot_general3A_10 : vector<10000x128xf32>
    %swap3A = arith.constant 0 : index
    %swap3A_11 = arith.constant 0 : index
    %swap3A_12 = vector.load %arg2[%swap3A, %swap3A_11] : memref<10000x128xf32, #tpu.memory_space<vmem>>, vector<10000x128xf32>
    tpu.vector_store %arg2[%swap3A, %swap3A_11], %add3A {strides = array<i32>} : memref<10000x128xf32, #tpu.memory_space<vmem>>, vector<10000x128xf32>,
    return
  }
}

</mosaic_0001>

<sc_bundles>
// kernel: kernel.4.cloned.1.call-start
scs
__scs_entry_jumppad:
0x0: {  	(pc) =	sbr.rel $0x88, $3  }
0x1: {  	(tag) =	ssettag $0x0;
	lr =	simm.s32 $0x1  }
0x2: {  	[smem:$0x3F9E] =	sst lr;
	_ =	strace $0xD0000000  }
0x3: {  	_ = 	snop  }
0x4: {  	_ = 	snop  }
0x5: {  	_ = 	snop  }
0x6: {  	_ = 	snop  }
0x7: {  	_ = 	snop  }
__scs_overlays_trampoline_lowered:
0x8: {  	[smem:$0x3FAD] =	sst s0  }
0x9: {  	[smem:$0x3FAE] =	sst s1  }
0xa: {  	[smem:$0x3FAF] =	sst s2  }
0xb: {  	[smem:$0x3FB0] =	sst s3  }
0xc: {  	[smem:$0x3FB1] =	sst s4  }
0xd: {  	[smem:$0x3FB2] =	sst s5  }
0xe: {  	[smem:$0x3FB3] =	sst s6  }
0xf: {  	[smem:$0x3FB4] =	sst s7  }
0x10: {  	[smem:$0x3FB5] =	sst s8  }
0x11: {  	[smem:$0x3FB6] =	sst s9;
	s0 =	simm.s32 @!p0 $0x0  }
0x12: {  	s1 =	sld [smem:$0x3F9C];
	s0 =	simm.s32 @p0 $0x1  }
0x13: {  	[smem:$0x3FB7] =	sst s0;
	s0 =	simm.s32 @!p1 $0x0  }
0x14: {  	s2 =	sld [smem:$0x3F9B];
	s0 =	simm.s32 @p1 $0x1  }
0x15: {  	[smem:$0x3FB8] =	sst s0;
	s0 =	simm.s32 @!p2 $0x0  }
0x16: {  	s3 =	sld [smem:$0x3FDB];
	s0 =	simm.s32 @p2 $0x1  }
0x17: {  	s4 =	simm.s32 $0x1BF5;
	[smem:$0x3FBA] =	sst s0  }
0x18: {  	s0 =	sld [smem:$0x3F9D];
	_ =	swait.ge [sflag:s4], $0x0  }
0x19: {  	s7 =	sld [smem:$0x3F9E]  }
0x1a: {  	s8 =	sadd.s32 $0xFFFFE003, lr  }
0x1b: {  	s9 =	sadd.s32 $0xFFFFFEF7, lr;
	s5 =	simm.s32 $0xFFFFFFFF;
	p2 =	slt.u32 s8, $0xFFFFF086  }
0x1c: {  	p1 =	slt.u32 s9, $0xF7A;
	s5 =	simm.s32 @!p2 $0x0  }
0x1d: {  	s5 =	simm.s32 @p1 $0x1;
	p0 =	seq.s32 s7, s2  }
0x1e: {  	s7 =	smul.u32 @!p0 $0xF7A, s2;
	p2 =	seq.s32 @!p0 s5, $0x0  }
0x1f: {  	s9 =	smul.u32 $0xF7A, s1;
	s8 =	simm.s32 @!p0 $0x1BF5;
	p2 =	por !p2, p0  }
0x20: {  	[sflag:s8] =	ssyncset.s32 @!p0 $0xFFFFF086;
	s6 =	sadd.s32 @!p0 s3, s7;
	s7 =	simm.s32 @!p0 $0x108  }
0x21: {  	s3 =	sadd.s32 s3, s9;
	s6 =	sadd.s32 @!p0 $0x88, s6;
	s7 =	simm.s32 @p2 $0x1082  }
0x22: {  	[simem:s7], [sflag:s8] =	dma.local @!p0 [hbm:s6], $0xF7A  }
0x23: {  	s9 =	sor.u32 $0xD0000000, s2;
	s6 =	simm.s32 $0x108;
	_ =	swait.ge @!p0 [sflag:s8], $0x0  }
0x24: {  	s3 =	sadd.s32 $0x88, s3;
	s6 =	simm.s32 @!p1 $0x1082;
	[sflag:s4] =	ssyncset.s32 $0xFFFFF086  }
0x25: {  	[simem:s6], [sflag:s4] =	dma.local [hbm:s3], $0xF7A  }
0x26: {  	[smem:$0x3F9E] =	sst s1;
	(tag) =	ssettag s2;
	_ =	strace s9  }
0x27: {  	s1 =	sld [smem:$0x3FAE]  }
0x28: {  	s2 =	sld [smem:$0x3FAF]  }
0x29: {  	s4 =	sld [smem:$0x3FB1]  }
0x2a: {  	p0 =	seq.s32 s5, $0x0;
	s5 =	sld [smem:$0x3FB2]  }
0x2b: {  	s6 =	sld [smem:$0x3FB3]  }
0x2c: {  	s7 =	sld [smem:$0x3FB4]  }
0x2d: {  	s3 =	simm.s32 $0x108;
	s8 =	sld [smem:$0x3FB5]  }
0x2e: {  	s3 =	simm.s32 @!p0 $0x1082;
	s9 =	sld [smem:$0x3FB6]  }
0x2f: {  	lr =	sadd.s32 s0, s3;
	s0 =	sld [smem:$0x3FAD]  }
0x30: {  	s3 =	sld [smem:$0x3FB0]  }
0x31: {  	[smem:$0x3FB9] =	sst s10  }
0x32: {  	s10 =	sld [smem:$0x3FB7];
	_ =	sdelay $0x3  }
0x33: {  	p0 =	seq.s32 s10, $0x1;
	s10 =	sld [smem:$0x3FB9];
	_ =	sdelay $0x3  }
0x34: {  	[smem:$0x3FB9] =	sst s10  }
0x35: {  	s10 =	sld [smem:$0x3FB8];
	_ =	sdelay $0x3  }
0x36: {  	p1 =	seq.s32 s10, $0x1;
	s10 =	sld [smem:$0x3FB9];
	_ =	sdelay $0x3  }
0x37: {  	[smem:$0x3FB9] =	sst s10  }
0x38: {  	s10 =	sld [smem:$0x3FBA]  }
0x39: {  	_ = 	snop;
	(pc) =	sbr.ind lr, $3  }
0x3a: {  	_ = 	snop  }
0x3b: {  	_ = 	snop  }
0x3c: {  	p2 =	seq.s32 s10, $0x1;
	s10 =	sld [smem:$0x3FB9]  }
0x3d: {  	_ =	shalt  }
0x3e: {  	_ =	shalt  }
0x3f: {  	_ =	shalt  }
0x40: {  	_ =	shalt  }
0x41: {  	_ =	shalt  }
0x42: {  	_ =	shalt  }
0x43: {  	_ =	shalt  }
0x44: {  	_ =	shalt  }
0x45: {  	_ =	shalt  }
0x46: {  	_ =	shalt  }
0x47: {  	_ =	shalt  }
0x48: {  	_ =	shalt  }
0x49: {  	_ =	shalt  }
0x4a: {  	_ =	shalt  }
0x4b: {  	_ =	shalt  }
0x4c: {  	_ =	shalt  }
0x4d: {  	_ =	shalt  }
0x4e: {  	_ =	shalt  }
0x4f: {  	_ =	shalt  }
0x50: {  	_ =	shalt  }
0x51: {  	_ =	shalt  }
0x52: {  	_ =	shalt  }
0x53: {  	_ =	shalt  }
0x54: {  	_ =	shalt  }
0x55: {  	_ =	shalt  }
0x56: {  	_ =	shalt  }
0x57: {  	_ =	shalt  }
0x58: {  	_ =	shalt  }
0x59: {  	_ =	shalt  }
0x5a: {  	_ =	shalt  }
0x5b: {  	_ =	shalt  }
0x5c: {  	_ =	shalt  }
0x5d: {  	_ =	shalt  }
0x5e: {  	_ =	shalt  }
0x5f: {  	_ =	shalt  }
0x60: {  	_ =	shalt  }
0x61: {  	_ =	shalt  }
0x62: {  	_ =	shalt  }
0x63: {  	_ =	shalt  }
0x64: {  	_ =	shalt  }
0x65: {  	_ =	shalt  }
0x66: {  	_ =	shalt  }
0x67: {  	_ =	shalt  }
0x68: {  	_ =	shalt  }
0x69: {  	_ =	shalt  }
0x6a: {  	_ =	shalt  }
0x6b: {  	_ =	shalt  }
0x6c: {  	_ =	shalt  }
0x6d: {  	_ =	shalt  }
0x6e: {  	_ =	shalt  }
0x6f: {  	_ =	shalt  }
0x70: {  	_ =	shalt  }
0x71: {  	_ =	shalt  }
0x72: {  	_ =	shalt  }
0x73: {  	_ =	shalt  }
0x74: {  	_ =	shalt  }
0x75: {  	_ =	shalt  }
0x76: {  	_ =	shalt  }
0x77: {  	_ =	shalt  }
0x78: {  	_ =	shalt  }
0x79: {  	_ =	shalt  }
0x7a: {  	_ =	shalt  }
0x7b: {  	_ =	shalt  }
0x7c: {  	_ =	shalt  }
0x7d: {  	_ =	shalt  }
0x7e: {  	_ =	shalt  }
0x7f: {  	_ =	shalt  }
0x80: {  	_ =	shalt  }
0x81: {  	_ =	shalt  }
0x82: {  	_ =	shalt  }
0x83: {  	_ =	shalt  }
0x84: {  	_ =	shalt  }
0x85: {  	_ =	shalt  }
0x86: {  	_ =	shalt  }
0x87: {  	_ =	shalt  }
.Lfunc_end0:
.L_simem_size_0:
called_computation_lowered:
.L_overlay_start_0:
0x88: {  	s2 =	sld [smem:$0x3FD9]  }
0x89: {  	s3 =	sld [smem:$0x3FFE];
	_ =	sdelay $0x1  }
0x8a: {  	s1 =	srdreg.scid  }
0x8b: {  	s0 =	sand.u32 $0x1, s1  }
0x8c: {  	s17 =	sshll.u32 s0, $0xA;
	s2 =	sadd.s32 s3, s2  }
0x8d: {  	s2 =	sadd.s32 s2, s17  }
0x8e: {  	[smem:$0x3FC5] =	sst s2  }
0x8f: {  	_ = 	snop  }
0x90: {  	s2 =	sld [smem:$0x3FC9]  }
0x91: {  	s18 =	sld [smem:$0x3FD0];
	(tm) =	ssettm $0x1  }
0x92: {  	s4 =	sld [smem:$0x3FFB];
	_ =	sdelay $0x3  }
0x93: {  	_ =	strace s4  }
0x94: {  	s4 =	sld [smem:$0x3FFC];
	_ =	sdelay $0x3  }
0x95: {  	_ =	strace s4  }
0x96: {  	s4 =	sld [smem:$0x3FFD];
	_ =	sdelay $0x3  }
0x97: {  	_ =	strace s4  }
0x98: {  	_ =	strace $0x8FFFFFFF  }
0x99: {  	s19 =	sld [smem:$0x3FDB];
	_ =	sdelay $0x1  }
0x9a: {  	s5 =	simm.s32 $_scs_section_size  }
0x9b: {  	s6 =	simm.s32 $_size__tile_overlayer_lowered;
	s7 =	simm.s32 $_tile_overlayer_lowered  }
0x9c: {  	s22 =	simm.s32 $0x1BFF;
	s21 =	sshll.u32 s7, $0x1;
	s4 =	sadd.s32 s5, s19  }
0x9d: {  	s8 =	simm.s32 $0x0;
	s20 =	sshll.u32 s6, $0x1;
	s6 =	sadd.s32 s21, s4  }
0x9e: {  	[timem:s8], [sflag:s22] =	dma.local [hbm:s6], s20  }
0x9f: {  	_ =	swait.ge [sflag:s22], s20  }
0xa0: {  	s5 =	ssub.s32 $0x0, s20;
	[sflag:s22] =	ssyncset.done $0x0  }
0xa1: {  	[sflag:s22] =	ssyncadd.s32 s5;
	_ =	sdelay $0x1  }
0xa2: {  	s23 =	simm.s32 $0x1B8B  }
0xa3: {  	_ =	swait.ge [sflag:s23], $0x1  }
0xa4: {  	[sflag:s23] =	ssyncset.done $0x0  }
0xa5: {  	s25 =	simm.s32 $0x1B8E;
	s24 =	sld [smem:$0x3FFE];
	[sflag:s23] =	ssyncadd.s32 $0xFFFFFFFF  }
0xa6: {  	s26 =	simm.s32 $execute0_lowered;
	[smem:$0x3FD2] =	sst s25  }
0xa7: {  	s6 =	sshll.u32 s26, $0x1;
	_ =	strace $0x80000046;
	[dreg:$0x1] =	wrdreg $0xFFFFFFFF  }
0xa8: {  	s28 =	simm.s32 $_size_execute0_lowered;
	s4 =	sadd.s32 s4, s6;
	[dreg:$0x0] =	wrdreg $0x0  }
0xa9: {  	s6 =	sshll.u32 s28, $0x1;
	[dreg:$0x2] =	wrdreg s4  }
0xaa: {  	[dreg:$0x3] =	wrdreg s6  }
0xab: {  	[dreg:$0x4] =	wrdreg $0xC0  }
0xac: {  	_ =	task [dreg:s8], $0x5FFFF  }
0xad: {  	[dreg:$0x1] =	wrdreg $0xFFFFFFFF  }
0xae: {  	[dreg:$0x0] =	wrdreg $0x60  }
0xaf: {  	[dreg:$0x2] =	wrdreg s2  }
0xb0: {  	[dreg:$0x3] =	wrdreg s24  }
0xb1: {  	[dreg:$0x4] =	wrdreg s18  }
0xb2: {  	[dreg:$0x5] =	wrdreg $0x9  }
0xb3: {  	_ =	task.clear_ibuf [dreg:s8], $0x6FFFF;
	_ =	strace $0x90000046  }
0xb4: {  	s29 =	simm.s32 $0x9;
	_ =	strace $0x80000048  }
0xb5: {  	_ =	swait.ge [sflag:s29], $0x1  }
0xb6: {  	[sflag:s29] =	ssyncadd.s32 $0xFFFFFFFF  }
0xb7: {  	_ =	strace $0x90000048  }
0xb8: {  	_ =	sfence  }
0xb9: {  	s30 =	sld [smem:$0x0];
	_ =	sdelay $0x2  }
0xba: {  	s31 =	sshll.u32 s1, $0xD;
	s1 =	sshrl.u32 s1, $0x2  }
0xbb: {  	s3 =	sand.u32 $0x4000, s31;
	s1 =	sadd.s32 s1, s30  }
0xbc: {  	s0 =	sor.u32 s3, s0;
	s1 =	sshll.u32 s1, $0x11  }
0xbd: {  	s0 =	sor.u32 s1, s0  }
0xbe: {  	s0 =	sadd.s32 $0x8F2B, s0  }
0xbf: {  	[sflag:s0] =	ssyncadd.remote.s32 $0x1  }
0xc0: {  	_ =	sfence.sel $0xFFFF  }
0xc1: {  	[dreg:$0x0] =	wrdreg $0xFFFFFFFF;
	(pc) =	sbr.abs _section_cstart, $3  }
0xc2: {  	[dreg:$0x1] =	wrdreg $0xFFFFFFFF  }
0xc3: {  	_ =	task.clear_ibuf [dreg:s8], $0x2FFFF;
	_ =	strace $0x9FFFFFFF  }
0xc4: {  	(tm) =	ssettm $0x7FFFFFFF  }
0xc5: {  	_ =	shalt  }
tec
execute0_lowered:
.L_overlay_start_1:
0x0: {  	(tag) =	ssettag $0x1  }
0x1: {  	s0 =	srdreg.scid;
	s1 =	rddreg [dreg:$0x0]  }
0x2: {  	s2 =	stileid.u32;
	s6 =	rddreg [dreg:$0x1]  }
0x3: {  	s3 =	rddreg [dreg:$0x2];
	s5 =	simm.s32 $0x0;
	s12 =	simm.s32 $0x68  }
0x4: {  	s14 =	simm.s32 $0x60;
	s19 =	simm.s32 $0xB300;
	s20 =	simm.s32 $0xE700  }
0x5: {  	s21 =	simm.s32 $0x17F00;
	s0 =	sand.u32 $0x1, s0;
	s2 =	sshll.u32 s2, $0x1  }
0x6: {  	s22 =	simm.s32 $0x1B300;
	s23 =	simm.s32 $0x1;
	s2 =	sor.u32 s0, s2  }
0x7: {  	s24 =	simm.s32 $0x3;
	s0 =	ssub.s32 $0x2, s0;
	s4 =	smul.u32 $0x2710, s2  }
0x8: {  	s25 =	simm.s32 $0x1E700;
	s26 =	simm.s32 $0x2;
	s7 =	sshrl.u32 s0, $0x1  }
0x9: {  	s28 =	simm.s32 $0x4;
	s0 =	ssub.s32 s0, s7;
	s2 =	sshrl.u32 s4, $0x3  }
0xa: {  	[smem:$0x7FF] =	sst s5;
	s0 =	smax.u32 s0, $0x1;
	s2 =	sadd.s32 s2, s6  }
0xb: {  	_ =	strace $0x80000047;
	[dreg:$0x6] =	wrdreg s0;
	s31 =	sadd.s32 $0xA000, s2  }
0xc: {  	s29 =	simm.s32 $0x1E7D0;
	s2 =	sadd.s32 $0x200, s2;
	[dreg:$0x4] =	wrdreg s31  }
0xd: {  	v0 =	vlaneseq.u32;
	s7 =	simm.s32 $0x0;
	s6 =	sadd.s32 $0x13E00, s6;
	[dreg:$0x5] =	wrdreg s2  }
.LBB2_1:
0xe: {  	[dreg:$0x7] =	wrdreg s7  }
0xf: {  	s0 =	rddreg [dreg:$0x4];
	s2 =	simm.s32 $0x7  }
0x10: {  	[tilespmem:s5], [sflag:$0x7] =	stream.linear.gather [hbm4b:s0+s5], $0x2710, $0x38;
	[tilespmem:$0x1E900] =	vst v63  }
0x11: {  	_ =	swait.ge [sflag:s2], $0x2710  }
0x12: {  	[sflag:s2] =	ssyncset.done $0x0  }
0x13: {  	s15 =	simm.s32 $0x2780;
	s13 =	rddreg [dreg:$0x5];
	[sflag:s2] =	ssyncadd.s32 $0xFFFFD8F0  }
0x14: {  	[tilespmem:s15], [sflag:$0x7] =	stream.linear.gather [hbm4b:s13+s5], $0x2710, $0x38;
	[tilespmem:$0x1E900] =	vst v63  }
0x15: {  	_ =	swait.ge [sflag:s2], $0x2710  }
0x16: {  	[sflag:s2] =	ssyncset.done $0x0  }
0x17: {  	s16 =	simm.s32 $0x4F00;
	[sflag:s2] =	ssyncadd.s32 $0xFFFFD8F0  }
0x18: {  	[tilespmem:s16], [sflag:$0x1] =	stream.indirect.gather [hbm4b:s1+s12], $0x80, s5, s12, $0xb8;
	[tilespmem:$0x1E900] =	vst v63  }
0x19: {  	s17 =	simm.s32 $0x8300  }
0x1a: {  	[tilespmem:s17], [sflag:$0x1] =	stream.indirect.gather [hbm4b:s1+s14], $0x80, s12, s14, $0xb8;
	[tilespmem:$0x1E900] =	vst v63  }
0x1b: {  	s18 =	simm.s32 $0x11B00  }
0x1c: {  	[tilespmem:s18], [sflag:$0x3] =	stream.indirect.gather [hbm4b:s6+s12], $0x80, s15, s12, $0xb8;
	[tilespmem:$0x1E900] =	vst v63  }
0x1d: {  	s30 =	simm.s32 $0x27E8;
	s31 =	simm.s32 $0x14F00;
	s0 =	simm.s32 $0x0  }
0x1e: {  	[tilespmem:s31], [sflag:$0x3] =	stream.indirect.gather [hbm4b:s6+s14], $0x80, s30, s14, $0xb8;
	[tilespmem:$0x1E900] =	vst v63  }
.LBB2_2:
0x1f: {  	s15 =	smul.u32 $0x190, s0;
	_ =	sdelay $0x1  }
0x20: {  	s13 =	sadd.s32 $0xC8, s15  }
0x21: {  	[tilespmem:s19], [sflag:$0x2] =	stream.indirect.gather [hbm4b:s1+s12], $0x80, s13, s12, $0xb8;
	[tilespmem:$0x1E900] =	vst v63  }
0x22: {  	s7 =	sadd.s32 $0x130, s15  }
0x23: {  	[tilespmem:s20], [sflag:$0x2] =	stream.indirect.gather [hbm4b:s1+s14], $0x80, s7, s14, $0xb8;
	[tilespmem:$0x1E900] =	vst v63  }
0x24: {  	s30 =	sadd.s32 $0x2848, s15  }
0x25: {  	[tilespmem:s21], [sflag:$0x4] =	stream.indirect.gather [hbm4b:s6+s12], $0x80, s30, s12, $0xb8;
	[tilespmem:$0x1E900] =	vst v63  }
0x26: {  	s31 =	sadd.s32 $0x28B0, s15  }
0x27: {  	[tilespmem:s22], [sflag:$0x4] =	stream.indirect.gather [hbm4b:s6+s14], $0x80, s31, s14, $0xb8;
	[tilespmem:$0x1E900] =	vst v63  }
0x28: {  	_ =	swait.ge [sflag:s23], $0x3400  }
0x29: {  	[sflag:s23] =	ssyncset.done $0x0  }
0x2a: {  	[sflag:s23] =	ssyncadd.s32 $0xFFFFCC00  }
0x2b: {  	_ =	swait.ge [sflag:s23], $0x3000  }
0x2c: {  	[sflag:s23] =	ssyncset.done $0x0  }
0x2d: {  	[sflag:s23] =	ssyncadd.s32 $0xFFFFD000  }
0x2e: {  	_ =	swait.ge [sflag:s24], $0x3400  }
0x2f: {  	[sflag:s24] =	ssyncset.done $0x0  }
0x30: {  	[sflag:s24] =	ssyncadd.s32 $0xFFFFCC00  }
0x31: {  	_ =	swait.ge [sflag:s24], $0x3000  }
0x32: {  	p0 =	seq.s32 s0, $0x0;
	[sflag:s24] =	ssyncset.done $0x0  }
0x33: {  	s7 =	simm.s32 @!p0 $0x5;
	[sflag:s24] =	ssyncadd.s32 $0xFFFFD000  }
0x34: {  	_ =	swait.ge @!p0 [sflag:s7], $0xC8  }
0x35: {  	s16 =	simm.s32 $0x0;
	[sflag:s7] =	ssyncset.done @!p0 $0x0  }
0x36: {  	s8 =	simm.s32 $0x11C00;
	s9 =	simm.s32 $0x5000;
	[sflag:s7] =	ssyncadd.s32 @!p0 $0xFFFFFF38  }
.LBB2_3:
0x37: {  	v4 =	vld [tilespmem:s9+$0x80]  }
0x38: {  	v5 =	vld [tilespmem:s8+$0x80]  }
0x39: {  	v6 =	vld [tilespmem:s9+$0x90]  }
0x3a: {  	v7 =	vld [tilespmem:s8+$0x90]  }
0x3b: {  	v8 =	vld [tilespmem:s9+$0xA0]  }
0x3c: {  	v9 =	vld [tilespmem:s8+$0xA0]  }
0x3d: {  	v10 =	vld [tilespmem:s9+$0xB0]  }
0x3e: {  	v11 =	vld [tilespmem:s8+$0xB0]  }
0x3f: {  	v12 =	vld [tilespmem:s9+$0xC0]  }
0x40: {  	v13 =	vld [tilespmem:s8+$0xC0]  }
0x41: {  	v2 =	vld [tilespmem:s9+$0xD0]  }
0x42: {  	v3 =	vld [tilespmem:s8+$0xD0]  }
0x43: {  	v1 =	vld [tilespmem:s9+$0xE0]  }
0x44: {  	v14 =	vld [tilespmem:s9+$0x0]  }
0x45: {  	v15 =	vld [tilespmem:s8+$0x0]  }
0x46: {  	v16 =	vld [tilespmem:s9+$0x10]  }
0x47: {  	v17 =	vld [tilespmem:s8+$0x10]  }
0x48: {  	v18 =	vld [tilespmem:s9+$0x20]  }
0x49: {  	v19 =	vld [tilespmem:s8+$0x20]  }
0x4a: {  	v20 =	vld [tilespmem:s9+$0x30]  }
0x4b: {  	v21 =	vld [tilespmem:s8+$0x30]  }
0x4c: {  	v22 =	vld [tilespmem:s9+$0x40]  }
0x4d: {  	v23 =	vld [tilespmem:s8+$0x40]  }
0x4e: {  	v24 =	vld [tilespmem:s9+$0x50]  }
0x4f: {  	v25 =	vld [tilespmem:s8+$0x50]  }
0x50: {  	v26 =	vld [tilespmem:s9+$0x60]  }
0x51: {  	v27 =	vld [tilespmem:s8+$0x60]  }
0x52: {  	v28 =	vld [tilespmem:s9+$0x70]  }
0x53: {  	v29 =	vld [tilespmem:s8+$0x70]  }
0x54: {  	v30 =	vld [tilespmem:s9+$0xFFFFFF80]  }
0x55: {  	v31 =	vld [tilespmem:s8+$0xFFFFFF80]  }
0x56: {  	v32 =	vld [tilespmem:s9+$0xFFFFFF90]  }
0x57: {  	v33 =	vld [tilespmem:s8+$0xFFFFFF90]  }
0x58: {  	v34 =	vld [tilespmem:s9+$0xFFFFFFA0]  }
0x59: {  	v35 =	vld [tilespmem:s8+$0xFFFFFFA0]  }
0x5a: {  	v36 =	vld [tilespmem:s9+$0xFFFFFFB0]  }
0x5b: {  	v37 =	vld [tilespmem:s8+$0xFFFFFFB0]  }
0x5c: {  	v38 =	vld [tilespmem:s9+$0xFFFFFFC0]  }
0x5d: {  	v39 =	vld [tilespmem:s8+$0xFFFFFFC0]  }
0x5e: {  	v40 =	vld [tilespmem:s9+$0xFFFFFFD0]  }
0x5f: {  	v41 =	vld [tilespmem:s8+$0xFFFFFFD0]  }
0x60: {  	v42 =	vld [tilespmem:s9+$0xFFFFFFE0]  }
0x61: {  	v43 =	vld [tilespmem:s8+$0xFFFFFFE0]  }
0x62: {  	v44 =	vld [tilespmem:s9+$0xFFFFFFF0]  }
0x63: {  	v45 =	vld [tilespmem:s8+$0xFFFFFFF0]  }
0x64: {  	v46 =	vld [tilespmem:s9+$0xFFFFFF00]  }
0x65: {  	v47 =	vld [tilespmem:s8+$0xFFFFFF00]  }
0x66: {  	v48 =	vld [tilespmem:s9+$0xFFFFFF10]  }
0x67: {  	v49 =	vld [tilespmem:s8+$0xFFFFFF10];
	v50 =	vmul.f32 v5, v4;
	v51 =	vmul.f32 v7, v6  }
0x68: {  	v52 =	vld [tilespmem:s9+$0xFFFFFF20];
	v6 =	vmul.f32 v9, v8;
	v7 =	vmul.f32 v11, v10  }
0x69: {  	v53 =	vld [tilespmem:s8+$0xFFFFFF20];
	v54 =	vmul.f32 v15, v14;
	v5 =	vmul.f32 v13, v12  }
0x6a: {  	v8 =	vld [tilespmem:s9+$0xFFFFFF30];
	v13 =	vmul.f32 v17, v16;
	v55 =	vmul.f32 v19, v18  }
0x6b: {  	v10 =	vld [tilespmem:s8+$0xFFFFFF30];
	v56 =	vmul.f32 v21, v20;
	v57 =	vmul.f32 v23, v22  }
0x6c: {  	v9 =	vld [tilespmem:s9+$0xFFFFFF40];
	v58 =	vmul.f32 v25, v24;
	v16 =	vmul.f32 v27, v26  }
0x6d: {  	v12 =	vld [tilespmem:s8+$0xFFFFFF40];
	v19 =	vmul.f32 v31, v30;
	v20 =	vmul.f32 v29, v28  }
0x6e: {  	v11 =	vld [tilespmem:s9+$0xFFFFFF50];
	v29 =	vmul.f32 v33, v32;
	v21 =	vmul.f32 v35, v34  }
0x6f: {  	v17 =	vld [tilespmem:s8+$0xFFFFFF50];
	v25 =	vmul.f32 v37, v36;
	v26 =	vmul.f32 v39, v38  }
0x70: {  	v14 =	vld [tilespmem:s9+$0xFFFFFF60];
	v30 =	vmul.f32 v41, v40;
	v15 =	vmul.f32 v43, v42  }
0x71: {  	v4 =	vimm.f32 $0.0e+00;
	v18 =	vmul.f32 v47, v46;
	v24 =	vld [tilespmem:s8+$0xFFFFFF60];
	v22 =	vmul.f32 v45, v44  }
0x72: {  	s11 =	sshll.u32 s16, $0x4;
	s30 =	simm.s32 $0x4;
	v27 =	vmul.f32 v49, v48;
	v23 =	vld [tilespmem:s9+$0xFFFFFF70];
	v32 =	vadd.f32 v13, v54;
	v13 =	vadd.f32 v51, v50  }
0x73: {  	s17 =	smov.u32 s8;
	s18 =	smov.u32 s9;
	s7 =	simm.s32 $0x0;
	v28 =	vmul.f32 v53, v52;
	v31 =	vld [tilespmem:s8+$0xFFFFFF70];
	v33 =	vadd.f32 v56, v55;
	v34 =	vadd.f32 v58, v57  }
.LBB2_4:
0x74: {  	p1 =	slt.u32 s30, $0xC;
	v10 =	vmul.f32 v10, v8;
	v19 =	vadd.f32 v29, v19;
	v8 =	vadd.f32 v20, v16;
	v16 =	vld [tilespmem:s17+$0xE0]  }
0x75: {  	v12 =	vmul.f32 v12, v9;
	v20 =	vadd.f32 v25, v21;
	v21 =	vadd.f32 v30, v26;
	v25 =	vld [tilespmem:s18+$0xF0]  }
0x76: {  	v17 =	vmul.f32 v17, v11;
	v11 =	vadd.f32 v33, v32;
	s18 =	sadd.s32 $0x200, s18;
	v26 =	vadd.f32 v8, v34;
	v29 =	vld [tilespmem:s17+$0xF0]  }
0x77: {  	v18 =	vadd.f32 v27, v18;
	v15 =	vadd.f32 v22, v15;
	v14 =	vmul.f32 v24, v14;
	s17 =	sadd.s32 $0x200, s17;
	v8 =	vld [tilespmem:s18+$0x80]  }
0x78: {  	v9 =	vld [tilespmem:s17+$0x80];
	v22 =	vmul.f32 v31, v23;
	v23 =	vadd.f32 v10, v28;
	v24 =	vadd.f32 v26, v11  }
0x79: {  	v2 =	vmul.f32 v3, v2;
	v19 =	vadd.f32 v20, v19;
	v15 =	vadd.f32 v15, v21;
	v10 =	vld [tilespmem:s18+$0x90]  }
0x7a: {  	v3 =	vadd.f32 v17, v12;
	v1 =	vmul.f32 v16, v1;
	v11 =	vld [tilespmem:s17+$0x90];
	v14 =	vadd.f32 v22, v14;
	(xrf2) =	vadd.scan.msk.f32 $0xffff, v24  }
0x7b: {  	v6 =	vadd.f32 v7, v6;
	v15 =	vadd.f32 v15, v19;
	v12 =	vld [tilespmem:s18+$0xA0];
	v16 =	vmul.f32 v29, v25  }
0x7c: {  	v17 =	vadd.f32 v23, v18;
	v7 =	vld [tilespmem:s17+$0xA0];
	v3 =	vadd.f32 v14, v3  }
0x7d: {  	v2 =	vadd.f32 v2, v5;
	v14 =	vld [tilespmem:s18+$0xB0];
	v1 =	vadd.f32 v16, v1;
	(xrf2) =	vadd.scan.msk.f32 $0xffff, v15  }
0x7e: {  	v5 =	vld [tilespmem:s17+$0xB0];
	v3 =	vadd.f32 v3, v17  }
0x7f: {  	v6 =	vadd.f32 v6, v13;
	v15 =	vld [tilespmem:s18+$0xC0];
	v1 =	vadd.f32 v1, v2  }
0x80: {  	v13 =	vld [tilespmem:s17+$0xC0];
	(xrf2) =	vadd.scan.msk.f32 $0xffff, v3  }
0x81: {  	v2 =	vld [tilespmem:s18+$0xD0];
	v17 =	vadd.f32 v1, v6  }
0x82: {  	v3 =	vld [tilespmem:s17+$0xD0]  }
0x83: {  	v1 =	vld [tilespmem:s18+$0xE0];
	(xrf2) =	vadd.scan.msk.f32 $0xffff, v17  }
0x84: {  	v16 =	vld [tilespmem:s18+$0x0];
	v6, _, _ =	vpop (xrf2)  }
0x85: {  	v17 =	vld [tilespmem:s17+$0x0]  }
0x86: {  	v18 =	vld [tilespmem:s18+$0x10]  }
0x87: {  	v19 =	vld [tilespmem:s17+$0x10];
	v20, _, _ =	vpop (xrf2)  }
0x88: {  	v21 =	vld [tilespmem:s18+$0x20]  }
0x89: {  	v22 =	vld [tilespmem:s17+$0x20]  }
0x8a: {  	s31 =	sadd.s32 $0x2, s7;
	s10 =	sadd.s32 $0x3, s7;
	v24 =	vmov s7;
	v23 =	vld [tilespmem:s18+$0x30];
	v25, _, _ =	vpop (xrf2)  }
0x8b: {  	s2 =	sadd.s32 $0x1, s7;
	v27 =	vmov s31;
	v28 =	vmov s10;
	s7 =	smov.u32 s30;
	v26 =	vld [tilespmem:s17+$0x30];
	v25 =	vbroadcast v25, $0xF  }
0x8c: {  	v31 =	vmov s2;
	vm0 =	veq.s32 v24, v0;
	v20 =	vbroadcast v20, $0xF;
	v29 =	vld [tilespmem:s18+$0x40]  }
0x8d: {  	v6 =	vbroadcast v6, $0xF;
	v30 =	vld [tilespmem:s17+$0x40];
	v4 =	vsel vm0, v25, v4;
	vm0 =	veq.s32 v31, v0;
	v24, _, _ =	vpop (xrf2)  }
0x8e: {  	v25 =	vld [tilespmem:s18+$0x50];
	v4 =	vsel vm0, v20, v4;
	vm0 =	veq.s32 v27, v0;
	v20 =	vbroadcast v24, $0xF  }
0x8f: {  	v24 =	vld [tilespmem:s17+$0x50];
	v4 =	vsel vm0, v6, v4;
	vm0 =	veq.s32 v28, v0  }
0x90: {  	v27 =	vld [tilespmem:s18+$0x60];
	v4 =	vsel vm0, v20, v4  }
0x91: {  	v20 =	vld [tilespmem:s17+$0x60]  }
0x92: {  	v28 =	vld [tilespmem:s18+$0x70]  }
0x93: {  	v31 =	vld [tilespmem:s17+$0x70]  }
0x94: {  	v32 =	vld [tilespmem:s18+$0xFFFFFF80]  }
0x95: {  	v33 =	vld [tilespmem:s17+$0xFFFFFF80]  }
0x96: {  	v34 =	vld [tilespmem:s18+$0xFFFFFF90]  }
0x97: {  	v35 =	vld [tilespmem:s17+$0xFFFFFF90]  }
0x98: {  	v36 =	vld [tilespmem:s18+$0xFFFFFFA0]  }
0x99: {  	v37 =	vld [tilespmem:s17+$0xFFFFFFA0]  }
0x9a: {  	v38 =	vld [tilespmem:s18+$0xFFFFFFB0]  }
0x9b: {  	v39 =	vld [tilespmem:s17+$0xFFFFFFB0]  }
0x9c: {  	v40 =	vld [tilespmem:s18+$0xFFFFFFC0]  }
0x9d: {  	v41 =	vld [tilespmem:s17+$0xFFFFFFC0]  }
0x9e: {  	v42 =	vld [tilespmem:s18+$0xFFFFFFD0]  }
0x9f: {  	v43 =	vld [tilespmem:s17+$0xFFFFFFD0]  }
0xa0: {  	v44 =	vld [tilespmem:s18+$0xFFFFFFE0]  }
0xa1: {  	v45 =	vld [tilespmem:s17+$0xFFFFFFE0]  }
0xa2: {  	v46 =	vld [tilespmem:s18+$0xFFFFFFF0]  }
0xa3: {  	v47 =	vld [tilespmem:s17+$0xFFFFFFF0]  }
0xa4: {  	v48 =	vld [tilespmem:s18+$0xFFFFFF00]  }
0xa5: {  	v49 =	vld [tilespmem:s17+$0xFFFFFF00]  }
0xa6: {  	v50 =	vld [tilespmem:s18+$0xFFFFFF10]  }
0xa7: {  	v52 =	vmul.f32 v9, v8;
	v53 =	vmul.f32 v11, v10;
	v51 =	vld [tilespmem:s17+$0xFFFFFF10]  }
0xa8: {  	v6 =	vmul.f32 v7, v12;
	v7 =	vmul.f32 v5, v14;
	v54 =	vld [tilespmem:s18+$0xFFFFFF20]  }
0xa9: {  	v56 =	vmul.f32 v17, v16;
	v5 =	vmul.f32 v13, v15;
	v55 =	vld [tilespmem:s17+$0xFFFFFF20]  }
0xaa: {  	v57 =	vmul.f32 v22, v21;
	v13 =	vmul.f32 v19, v18;
	v8 =	vld [tilespmem:s18+$0xFFFFFF30]  }
0xab: {  	v58 =	vmul.f32 v26, v23;
	v59 =	vmul.f32 v30, v29;
	v10 =	vld [tilespmem:s17+$0xFFFFFF30]  }
0xac: {  	v60 =	vmul.f32 v24, v25;
	v16 =	vmul.f32 v20, v27;
	v9 =	vld [tilespmem:s18+$0xFFFFFF40]  }
0xad: {  	v20 =	vmul.f32 v31, v28;
	v19 =	vmul.f32 v33, v32;
	v12 =	vld [tilespmem:s17+$0xFFFFFF40]  }
0xae: {  	v29 =	vmul.f32 v35, v34;
	v21 =	vmul.f32 v37, v36;
	v11 =	vld [tilespmem:s18+$0xFFFFFF50]  }
.Ltmp0:
0xaf: {  	v25 =	vmul.f32 v39, v38;
	v26 =	vmul.f32 v41, v40;
	v17 =	vld [tilespmem:s17+$0xFFFFFF50];
	(pc) =	sbr.rel @p1 .LBB2_4-.Ltmp0, $4  }
0xb0: {  	v30 =	vmul.f32 v43, v42;
	v15 =	vmul.f32 v45, v44;
	v14 =	vld [tilespmem:s18+$0xFFFFFF60]  }
0xb1: {  	v22 =	vmul.f32 v47, v46;
	v18 =	vmul.f32 v49, v48;
	v24 =	vld [tilespmem:s17+$0xFFFFFF60]  }
0xb2: {  	v32 =	vadd.f32 v13, v56;
	v13 =	vadd.f32 v53, v52;
	v27 =	vmul.f32 v51, v50;
	v23 =	vld [tilespmem:s18+$0xFFFFFF70]  }
0xb3: {  	s30 =	sadd.s32 $0x4, s30;
	v33 =	vadd.f32 v58, v57;
	v34 =	vadd.f32 v60, v59;
	v28 =	vmul.f32 v55, v54;
	v31 =	vld [tilespmem:s17+$0xFFFFFF70]  }
0xb4: {  	v8 =	vmul.f32 v10, v8;
	v48 =	vadd.f32 v29, v19  }
0xb5: {  	v16 =	vadd.f32 v20, v16;
	v49 =	vld [tilespmem:s17+$0xE0];
	v9 =	vmul.f32 v12, v9;
	v50 =	vadd.f32 v25, v21  }
0xb6: {  	v51 =	vadd.f32 v30, v26;
	v52 =	vld [tilespmem:s18+$0xF0];
	v11 =	vmul.f32 v17, v11;
	v18 =	vadd.f32 v27, v18  }
0xb7: {  	v54 =	vld [tilespmem:s17+$0xF0];
	v15 =	vadd.f32 v22, v15;
	v2 =	vmul.f32 v3, v2;
	v6 =	vadd.f32 v7, v6  }
0xb8: {  	v53 =	vadd.f32 v33, v32;
	v16 =	vadd.f32 v16, v34;
	v14 =	vmul.f32 v24, v14  }
0xb9: {  	v8 =	vadd.f32 v8, v28;
	v10 =	vadd.f32 v50, v48;
	v55 =	vmul.f32 v31, v23  }
0xba: {  	v56 =	vadd.f32 v15, v51;
	v3 =	vadd.f32 v11, v9  }
0xbb: {  	v2 =	vadd.f32 v2, v5;
	v57 =	vadd.f32 v55, v14  }
0xbc: {  	v16 =	vadd.f32 v16, v53;
	v1 =	vmul.f32 v49, v1;
	v58 =	vmul.f32 v54, v52  }
0xbd: {  	v59 =	vadd.f32 v8, v18;
	v3 =	vadd.f32 v57, v3  }
0xbe: {  	v10 =	vadd.f32 v56, v10;
	v1 =	vadd.f32 v58, v1  }
0xbf: {  	(xrf2) =	vadd.scan.msk.f32 $0xffff, v16;
	v3 =	vadd.f32 v3, v59  }
0xc0: {  	v60 =	vadd.f32 v6, v13;
	(xrf2) =	vadd.scan.msk.f32 $0xffff, v10;
	v1 =	vadd.f32 v1, v2  }
0xc1: {  	(xrf2) =	vadd.scan.msk.f32 $0xffff, v3  }
0xc2: {  	v1 =	vadd.f32 v1, v60;
	_ =	sdelay $0x1  }
0xc3: {  	(xrf2) =	vadd.scan.msk.f32 $0xffff, v1;
	_ =	sdelay $0x4  }
0xc4: {  	v1, _, _ =	vpop (xrf2)  }
0xc5: {  	s31 =	sadd.s32 $0x1, s7;
	v3 =	vmov s7;
	v2, _, _ =	vpop (xrf2)  }
0xc6: {  	vm0 =	veq.s32 v3, v0;
	v3 =	vmov s31;
	v61, _, _ =	vpop (xrf2)  }
0xc7: {  	s2 =	sadd.s32 $0x2, s7;
	s10 =	sadd.s32 $0x3, s7;
	v5 =	vbroadcast v61, $0xF  }
0xc8: {  	v62 =	vmov s2;
	v63 =	vmov s10;
	v2 =	vbroadcast v2, $0xF  }
0xc9: {  	vm13 =	veq.s32 v3, v0;
	v1 =	vbroadcast v1, $0xF;
	v3, _, _ =	vpop (xrf2);
	v4 =	vsel vm0, v5, v4  }
0xca: {  	vm14 =	veq.s32 v62, v0;
	v3 =	vbroadcast v3, $0xF;
	v2 =	vsel vm13, v2, v4  }
0xcb: {  	vm15 =	veq.s32 v63, v0;
	v1 =	vsel vm14, v1, v2  }
0xcc: {  	v1 =	vsel vm15, v3, v1  }
0xcd: {  	v1 =	vsub.f32 $0.0e+00, v1;
	_ =	sdelay $0x1  }
0xce: {  	v1 =	vmul.f32 $1.442695020e+00, v1;
	_ =	sdelay $0x1  }
0xcf: {  	(erf) = vpow2.f32 v1;
	_ =	sdelay $0x8  }
0xd0: {  	v1 =	vpop (erf)  }
0xd1: {  	v1 =	vadd.f32 $1.000000000e+00, v1;
	_ =	sdelay $0x1  }
0xd2: {  	(erf) = vrcp.f32 v1;
	_ =	sdelay $0x3  }
0xd3: {  	s16 =	sadd.s32 $0x1, s16  }
0xd4: {  	p1 =	sne.s32 s16, $0xD  }
.Ltmp1:
0xd5: {  	_ = 	snop;
	(pc) =	sbr.rel @p1 .LBB2_3-.Ltmp1, $3  }
0xd6: {  	_ =	sdelay $0x1  }
0xd7: {  	v1 =	vpop (erf)  }
0xd8: {  	s8 =	sadd.s32 $0x800, s8;
	s9 =	sadd.s32 $0x800, s9;
	[tilespmem:s11+$0x1E700] =	vst v1  }
0xd9: {  	s2 =	sadd.s32 s4, s15  }
0xda: {  	s2 =	sshrl.u32 s2, $0x3  }
0xdb: {  	p1 =	seq.s32 s0, $0x18;
	s2 =	sadd.s32 s3, s2  }
0xdc: {  	[hbm4b:s2+s5] =	stream.linear.scatter [tilespmem:s25], [sflag:$0x5], $0xC8, $0x38;
	[tilespmem:$0x1E900] =	vst v63  }
0xdd: {  	s7 =	simm.s32 @!p1 $0x68;
	s8 =	simm.s32 @!p1 $0x4F00;
	s2 =	sadd.s32 @!p1 $0x190, s15  }
0xde: {  	[tilespmem:s8], [sflag:$0x1] =	stream.indirect.gather @!p1 [hbm4b:s1+s7], $0x80, s2, s7, $0xb8;
	[tilespmem:$0x1E900] =	vst v63  }
0xdf: {  	s9 =	simm.s32 @!p1 $0x8300;
	s2 =	sadd.s32 @!p1 $0x1F8, s15;
	s8 =	simm.s32 @!p1 $0x60  }
0xe0: {  	[tilespmem:s9], [sflag:$0x1] =	stream.indirect.gather @!p1 [hbm4b:s1+s8], $0x80, s2, s8, $0xb8;
	[tilespmem:$0x1E900] =	vst v63  }
0xe1: {  	s2 =	sadd.s32 @!p1 $0x2910, s15;
	s9 =	simm.s32 @!p1 $0x11B00  }
0xe2: {  	[tilespmem:s9], [sflag:$0x3] =	stream.indirect.gather @!p1 [hbm4b:s6+s7], $0x80, s2, s7, $0xb8;
	[tilespmem:$0x1E900] =	vst v63  }
0xe3: {  	s2 =	sadd.s32 @!p1 $0x2978, s15;
	s7 =	simm.s32 @!p1 $0x14F00  }
0xe4: {  	[tilespmem:s7], [sflag:$0x3] =	stream.indirect.gather @!p1 [hbm4b:s6+s8], $0x80, s2, s8, $0xb8;
	[tilespmem:$0x1E900] =	vst v63  }
0xe5: {  	_ =	swait.ge [sflag:s26], $0x3400  }
0xe6: {  	[sflag:s26] =	ssyncset.done $0x0  }
0xe7: {  	[sflag:s26] =	ssyncadd.s32 $0xFFFFCC00  }
0xe8: {  	_ =	swait.ge [sflag:s26], $0x3000  }
0xe9: {  	[sflag:s26] =	ssyncset.done $0x0  }
0xea: {  	[sflag:s26] =	ssyncadd.s32 $0xFFFFD000  }
0xeb: {  	_ =	swait.ge [sflag:s28], $0x3400  }
0xec: {  	[sflag:s28] =	ssyncset.done $0x0  }
0xed: {  	[sflag:s28] =	ssyncadd.s32 $0xFFFFCC00  }
0xee: {  	_ =	swait.ge [sflag:s28], $0x3000  }
0xef: {  	[sflag:s28] =	ssyncset.done $0x0  }
0xf0: {  	s2 =	simm.s32 @!p0 $0x6;
	[sflag:s28] =	ssyncadd.s32 $0xFFFFD000  }
0xf1: {  	_ =	swait.ge @!p0 [sflag:s2], $0xC8  }
0xf2: {  	[sflag:s2] =	ssyncset.done @!p0 $0x0  }
0xf3: {  	s16 =	simm.s32 $0x0;
	s15 =	simm.s32 $0x0;
	[sflag:s2] =	ssyncadd.s32 @!p0 $0xFFFFFF38  }
.LBB2_7:
0xf4: {  	s17 =	sshra.s32 s15, $0x2  }
0xf5: {  	v4 =	vld [tilespmem:s17+$0xB480]  }
0xf6: {  	v5 =	vld [tilespmem:s17+$0x18080]  }
0xf7: {  	v6 =	vld [tilespmem:s17+$0xB490]  }
0xf8: {  	v7 =	vld [tilespmem:s17+$0x18090]  }
0xf9: {  	v9 =	vld [tilespmem:s17+$0xB4A0]  }
0xfa: {  	v10 =	vld [tilespmem:s17+$0x180A0]  }
0xfb: {  	v11 =	vld [tilespmem:s17+$0xB4B0]  }
0xfc: {  	v12 =	vld [tilespmem:s17+$0x180B0]  }
0xfd: {  	v13 =	vld [tilespmem:s17+$0xB4C0]  }
0xfe: {  	v14 =	vld [tilespmem:s17+$0x180C0]  }
0xff: {  	v2 =	vld [tilespmem:s17+$0xB4D0]  }
0x100: {  	v3 =	vld [tilespmem:s17+$0x180D0]  }
0x101: {  	v1 =	vld [tilespmem:s17+$0xB4E0]  }
0x102: {  	v15 =	vld [tilespmem:s17+$0xB400]  }
0x103: {  	v16 =	vld [tilespmem:s17+$0x18000]  }
0x104: {  	v17 =	vld [tilespmem:s17+$0xB410]  }
0x105: {  	v18 =	vld [tilespmem:s17+$0x18010]  }
0x106: {  	v19 =	vld [tilespmem:s17+$0xB420]  }
0x107: {  	v20 =	vld [tilespmem:s17+$0x18020]  }
0x108: {  	v21 =	vld [tilespmem:s17+$0xB430]  }
0x109: {  	v22 =	vld [tilespmem:s17+$0x18030]  }
0x10a: {  	v23 =	vld [tilespmem:s17+$0xB440]  }
0x10b: {  	v24 =	vld [tilespmem:s17+$0x18040]  }
0x10c: {  	v25 =	vld [tilespmem:s17+$0xB450]  }
0x10d: {  	v26 =	vld [tilespmem:s17+$0x18050]  }
0x10e: {  	v27 =	vld [tilespmem:s17+$0xB460]  }
0x10f: {  	v28 =	vld [tilespmem:s17+$0x18060]  }
0x110: {  	v29 =	vld [tilespmem:s17+$0xB470]  }
0x111: {  	v30 =	vld [tilespmem:s17+$0x18070]  }
0x112: {  	v31 =	vld [tilespmem:s17+$0xB380]  }
0x113: {  	v32 =	vld [tilespmem:s17+$0x17F80]  }
0x114: {  	v33 =	vld [tilespmem:s17+$0xB390]  }
0x115: {  	v34 =	vld [tilespmem:s17+$0x17F90]  }
0x116: {  	v35 =	vld [tilespmem:s17+$0xB3A0]  }
0x117: {  	v36 =	vld [tilespmem:s17+$0x17FA0]  }
0x118: {  	v37 =	vld [tilespmem:s17+$0xB3B0]  }
0x119: {  	v38 =	vld [tilespmem:s17+$0x17FB0]  }
0x11a: {  	v39 =	vld [tilespmem:s17+$0xB3C0]  }
0x11b: {  	v40 =	vld [tilespmem:s17+$0x17FC0]  }
0x11c: {  	v41 =	vld [tilespmem:s17+$0xB3D0]  }
0x11d: {  	v42 =	vld [tilespmem:s17+$0x17FD0]  }
0x11e: {  	v43 =	vld [tilespmem:s17+$0xB3E0]  }
0x11f: {  	v44 =	vld [tilespmem:s17+$0x17FE0]  }
0x120: {  	v45 =	vld [tilespmem:s17+$0xB3F0]  }
0x121: {  	v46 =	vld [tilespmem:s17+$0x17FF0]  }
0x122: {  	v47 =	vld [tilespmem:s17+$0xB300]  }
0x123: {  	v48 =	vld [tilespmem:s17+$0x17F00]  }
0x124: {  	v49 =	vld [tilespmem:s17+$0xB310]  }
0x125: {  	v50 =	vld [tilespmem:s17+$0x17F10];
	v51 =	vmul.f32 v5, v4;
	v52 =	vmul.f32 v7, v6  }
0x126: {  	v8 =	vld [tilespmem:s17+$0xB320];
	v6 =	vmul.f32 v10, v9;
	v7 =	vmul.f32 v12, v11  }
0x127: {  	v10 =	vld [tilespmem:s17+$0x17F20];
	v53 =	vmul.f32 v16, v15;
	v5 =	vmul.f32 v14, v13  }
0x128: {  	v9 =	vld [tilespmem:s17+$0xB330];
	v13 =	vmul.f32 v18, v17;
	v14 =	vmul.f32 v20, v19  }
0x129: {  	v12 =	vld [tilespmem:s17+$0x17F30];
	v19 =	vmul.f32 v22, v21;
	v20 =	vmul.f32 v24, v23  }
0x12a: {  	v11 =	vld [tilespmem:s17+$0xB340];
	v24 =	vmul.f32 v26, v25;
	v21 =	vmul.f32 v28, v27  }
0x12b: {  	v16 =	vld [tilespmem:s17+$0x17F40];
	v26 =	vmul.f32 v32, v31;
	v27 =	vmul.f32 v30, v29  }
0x12c: {  	v15 =	vld [tilespmem:s17+$0xB350];
	v34 =	vmul.f32 v34, v33;
	v28 =	vmul.f32 v36, v35  }
0x12d: {  	v22 =	vld [tilespmem:s17+$0x17F50];
	v31 =	vmul.f32 v38, v37;
	v32 =	vmul.f32 v40, v39  }
0x12e: {  	v17 =	vld [tilespmem:s17+$0xB360];
	v35 =	vmul.f32 v42, v41;
	v18 =	vmul.f32 v44, v43  }
0x12f: {  	s18 =	sshll.u32 s16, $0x4;
	v4 =	vimm.f32 $0.0e+00;
	v23 =	vmul.f32 v48, v47;
	v29 =	vld [tilespmem:s17+$0x17F60];
	v25 =	vmul.f32 v46, v45  }
0x130: {  	s7 =	simm.s32 $0x4;
	s8 =	smov.u32 s15;
	s11 =	simm.s32 $0x0;
	v33 =	vmul.f32 v50, v49;
	v30 =	vld [tilespmem:s17+$0xB370];
	v36 =	vadd.f32 v13, v53;
	v13 =	vadd.f32 v52, v51  }
.LBB2_8:
0x131: {  	p0 =	slt.u32 s7, $0xC;
	v10 =	vmul.f32 v10, v8;
	v37 =	vld [tilespmem:s17+$0x17F70];
	v8 =	vadd.f32 v19, v14;
	v14 =	vadd.f32 v24, v20  }
0x132: {  	v12 =	vmul.f32 v12, v9;
	v19 =	vadd.f32 v34, v26;
	v9 =	vadd.f32 v27, v21;
	v20 =	vld [tilespmem:s17+$0x180E0]  }
0x133: {  	v16 =	vmul.f32 v16, v11;
	v11 =	vadd.f32 v31, v28;
	v21 =	vadd.f32 v35, v32;
	s8 =	sadd.s32 $0x800, s8;
	v24 =	vld [tilespmem:s17+$0xB4F0]  }
0x134: {  	v15 =	vmul.f32 v22, v15;
	v22 =	vadd.f32 v8, v36;
	v14 =	vadd.f32 v9, v14;
	v26 =	vld [tilespmem:s17+$0x180F0];
	s17 =	sshra.s32 s8, $0x2  }
0x135: {  	v18 =	vadd.f32 v25, v18;
	v23 =	vadd.f32 v33, v23;
	v17 =	vmul.f32 v29, v17;
	v8 =	vld [tilespmem:s17+$0xB480]  }
0x136: {  	v27 =	vadd.f32 v12, v10;
	v12 =	vadd.f32 v14, v22;
	v9 =	vld [tilespmem:s17+$0x18080];
	v25 =	vmul.f32 v37, v30  }
0x137: {  	v2 =	vmul.f32 v3, v2;
	v18 =	vadd.f32 v18, v21;
	v14 =	vadd.f32 v11, v19;
	v10 =	vld [tilespmem:s17+$0xB490]  }
0x138: {  	v3 =	vadd.f32 v15, v16;
	v1 =	vmul.f32 v20, v1;
	v11 =	vld [tilespmem:s17+$0x18090];
	v15 =	vadd.f32 v25, v17;
	(xrf2) =	vadd.scan.msk.f32 $0xffff, v12  }
0x139: {  	v6 =	vadd.f32 v7, v6;
	v14 =	vadd.f32 v18, v14;
	v12 =	vld [tilespmem:s17+$0xB4A0];
	v16 =	vmul.f32 v26, v24  }
0x13a: {  	v17 =	vadd.f32 v27, v23;
	v7 =	vld [tilespmem:s17+$0x180A0];
	v3 =	vadd.f32 v15, v3  }
0x13b: {  	v2 =	vadd.f32 v2, v5;
	v15 =	vld [tilespmem:s17+$0xB4B0];
	v1 =	vadd.f32 v16, v1;
	(xrf2) =	vadd.scan.msk.f32 $0xffff, v14  }
0x13c: {  	v5 =	vld [tilespmem:s17+$0x180B0];
	v3 =	vadd.f32 v3, v17  }
0x13d: {  	v6 =	vadd.f32 v6, v13;
	v14 =	vld [tilespmem:s17+$0xB4C0];
	v1 =	vadd.f32 v1, v2  }
0x13e: {  	v13 =	vld [tilespmem:s17+$0x180C0];
	(xrf2) =	vadd.scan.msk.f32 $0xffff, v3  }
0x13f: {  	v2 =	vld [tilespmem:s17+$0xB4D0];
	v17 =	vadd.f32 v1, v6  }
0x140: {  	v3 =	vld [tilespmem:s17+$0x180D0]  }
0x141: {  	v1 =	vld [tilespmem:s17+$0xB4E0];
	(xrf2) =	vadd.scan.msk.f32 $0xffff, v17  }
0x142: {  	v16 =	vld [tilespmem:s17+$0xB400];
	v6, _, _ =	vpop (xrf2)  }
0x143: {  	v17 =	vld [tilespmem:s17+$0x18000]  }
0x144: {  	v18 =	vld [tilespmem:s17+$0xB410]  }
0x145: {  	v19 =	vld [tilespmem:s17+$0x18010];
	v20, _, _ =	vpop (xrf2)  }
0x146: {  	v21 =	vld [tilespmem:s17+$0xB420]  }
0x147: {  	v22 =	vld [tilespmem:s17+$0x18020]  }
0x148: {  	s2 =	sadd.s32 $0x2, s11;
	s9 =	sadd.s32 $0x3, s11;
	v24 =	vmov s11;
	v23 =	vld [tilespmem:s17+$0xB430];
	v25, _, _ =	vpop (xrf2)  }
0x149: {  	s10 =	sadd.s32 $0x1, s11;
	v28 =	vmov s9;
	v27 =	vmov s2;
	s11 =	smov.u32 s7;
	v26 =	vld [tilespmem:s17+$0x18030];
	v25 =	vbroadcast v25, $0xF  }
0x14a: {  	v31 =	vmov s10;
	vm0 =	veq.s32 v24, v0;
	v20 =	vbroadcast v20, $0xF;
	v29 =	vld [tilespmem:s17+$0xB440]  }
0x14b: {  	v6 =	vbroadcast v6, $0xF;
	v30 =	vld [tilespmem:s17+$0x18040];
	v4 =	vsel vm0, v25, v4;
	vm0 =	veq.s32 v31, v0;
	v24, _, _ =	vpop (xrf2)  }
0x14c: {  	v25 =	vld [tilespmem:s17+$0xB450];
	v4 =	vsel vm0, v20, v4;
	vm0 =	veq.s32 v27, v0;
	v20 =	vbroadcast v24, $0xF  }
0x14d: {  	v24 =	vld [tilespmem:s17+$0x18050];
	v4 =	vsel vm0, v6, v4;
	vm0 =	veq.s32 v28, v0  }
0x14e: {  	v27 =	vld [tilespmem:s17+$0xB460];
	v4 =	vsel vm0, v20, v4  }
0x14f: {  	v28 =	vld [tilespmem:s17+$0x18060]  }
0x150: {  	v31 =	vld [tilespmem:s17+$0xB470]  }
0x151: {  	v32 =	vld [tilespmem:s17+$0x18070]  }
0x152: {  	v33 =	vld [tilespmem:s17+$0xB380]  }
0x153: {  	v34 =	vld [tilespmem:s17+$0x17F80]  }
0x154: {  	v35 =	vld [tilespmem:s17+$0xB390]  }
0x155: {  	v36 =	vld [tilespmem:s17+$0x17F90]  }
0x156: {  	v37 =	vld [tilespmem:s17+$0xB3A0]  }
0x157: {  	v38 =	vld [tilespmem:s17+$0x17FA0]  }
0x158: {  	v39 =	vld [tilespmem:s17+$0xB3B0]  }
0x159: {  	v40 =	vld [tilespmem:s17+$0x17FB0]  }
0x15a: {  	v41 =	vld [tilespmem:s17+$0xB3C0]  }
0x15b: {  	v42 =	vld [tilespmem:s17+$0x17FC0]  }
0x15c: {  	v43 =	vld [tilespmem:s17+$0xB3D0]  }
0x15d: {  	v44 =	vld [tilespmem:s17+$0x17FD0]  }
0x15e: {  	v45 =	vld [tilespmem:s17+$0xB3E0]  }
0x15f: {  	v46 =	vld [tilespmem:s17+$0x17FE0]  }
0x160: {  	v47 =	vld [tilespmem:s17+$0xB3F0]  }
0x161: {  	v48 =	vld [tilespmem:s17+$0x17FF0]  }
0x162: {  	v49 =	vld [tilespmem:s17+$0xB300]  }
0x163: {  	v50 =	vld [tilespmem:s17+$0x17F00]  }
0x164: {  	v51 =	vld [tilespmem:s17+$0xB310]  }
0x165: {  	v53 =	vmul.f32 v9, v8;
	v54 =	vmul.f32 v11, v10;
	v52 =	vld [tilespmem:s17+$0x17F10]  }
0x166: {  	v6 =	vmul.f32 v7, v12;
	v7 =	vmul.f32 v5, v15;
	v8 =	vld [tilespmem:s17+$0xB320]  }
0x167: {  	v55 =	vmul.f32 v17, v16;
	v5 =	vmul.f32 v13, v14;
	v10 =	vld [tilespmem:s17+$0x17F20]  }
0x168: {  	v13 =	vmul.f32 v19, v18;
	v14 =	vmul.f32 v22, v21;
	v9 =	vld [tilespmem:s17+$0xB330]  }
0x169: {  	v19 =	vmul.f32 v26, v23;
	v20 =	vmul.f32 v30, v29;
	v12 =	vld [tilespmem:s17+$0x17F30]  }
0x16a: {  	v24 =	vmul.f32 v24, v25;
	v21 =	vmul.f32 v28, v27;
	v11 =	vld [tilespmem:s17+$0xB340]  }
0x16b: {  	v27 =	vmul.f32 v32, v31;
	v26 =	vmul.f32 v34, v33;
	v16 =	vld [tilespmem:s17+$0x17F40]  }
.Ltmp2:
0x16c: {  	v34 =	vmul.f32 v36, v35;
	v28 =	vmul.f32 v38, v37;
	v15 =	vld [tilespmem:s17+$0xB350];
	(pc) =	sbr.rel @p0 .LBB2_8-.Ltmp2, $4  }
0x16d: {  	v31 =	vmul.f32 v40, v39;
	v32 =	vmul.f32 v42, v41;
	v22 =	vld [tilespmem:s17+$0x17F50]  }
0x16e: {  	v35 =	vmul.f32 v44, v43;
	v18 =	vmul.f32 v46, v45;
	v17 =	vld [tilespmem:s17+$0xB360]  }
0x16f: {  	v25 =	vmul.f32 v48, v47;
	v23 =	vmul.f32 v50, v49;
	v29 =	vld [tilespmem:s17+$0x17F60]  }
0x170: {  	s7 =	sadd.s32 $0x4, s7;
	v36 =	vadd.f32 v13, v55;
	v13 =	vadd.f32 v54, v53;
	v33 =	vmul.f32 v52, v51;
	v30 =	vld [tilespmem:s17+$0xB370]  }
0x171: {  	v14 =	vadd.f32 v19, v14;
	v46 =	vadd.f32 v24, v20  }
0x172: {  	v8 =	vmul.f32 v10, v8;
	v45 =	vld [tilespmem:s17+$0x17F70];
	v47 =	vadd.f32 v34, v26;
	v48 =	vadd.f32 v27, v21  }
0x173: {  	v9 =	vmul.f32 v12, v9;
	v49 =	vld [tilespmem:s17+$0x180E0];
	v50 =	vadd.f32 v31, v28;
	v51 =	vadd.f32 v35, v32  }
0x174: {  	v11 =	vmul.f32 v16, v11;
	v52 =	vld [tilespmem:s17+$0xB4F0];
	v18 =	vadd.f32 v25, v18;
	v6 =	vadd.f32 v7, v6  }
0x175: {  	v53 =	vld [tilespmem:s17+$0x180F0];
	v2 =	vmul.f32 v3, v2;
	v54 =	vadd.f32 v33, v23;
	v14 =	vadd.f32 v14, v36  }
0x176: {  	v15 =	vmul.f32 v22, v15;
	v19 =	vadd.f32 v48, v46;
	v8 =	vadd.f32 v9, v8  }
0x177: {  	v12 =	vadd.f32 v50, v47;
	v17 =	vmul.f32 v29, v17;
	v10 =	vmul.f32 v45, v30  }
0x178: {  	v56 =	vadd.f32 v18, v51;
	v2 =	vadd.f32 v2, v5  }
0x179: {  	v3 =	vadd.f32 v15, v11;
	v10 =	vadd.f32 v10, v17  }
0x17a: {  	v55 =	vadd.f32 v19, v14;
	v1 =	vmul.f32 v49, v1;
	v58 =	vmul.f32 v53, v52  }
0x17b: {  	v59 =	vadd.f32 v8, v54;
	v3 =	vadd.f32 v10, v3  }
0x17c: {  	v57 =	vadd.f32 v56, v12;
	v1 =	vadd.f32 v58, v1  }
0x17d: {  	(xrf2) =	vadd.scan.msk.f32 $0xffff, v55;
	v3 =	vadd.f32 v3, v59  }
0x17e: {  	v60 =	vadd.f32 v6, v13;
	(xrf2) =	vadd.scan.msk.f32 $0xffff, v57;
	v1 =	vadd.f32 v1, v2  }
0x17f: {  	(xrf2) =	vadd.scan.msk.f32 $0xffff, v3  }
0x180: {  	v1 =	vadd.f32 v1, v60;
	_ =	sdelay $0x1  }
0x181: {  	(xrf2) =	vadd.scan.msk.f32 $0xffff, v1;
	_ =	sdelay $0x4  }
0x182: {  	v1, _, _ =	vpop (xrf2)  }
0x183: {  	s8 =	sadd.s32 $0x1, s11;
	v3 =	vmov s11;
	v2, _, _ =	vpop (xrf2)  }
0x184: {  	vm0 =	veq.s32 v3, v0;
	v3 =	vmov s8;
	v61, _, _ =	vpop (xrf2)  }
0x185: {  	s2 =	sadd.s32 $0x2, s11;
	s7 =	sadd.s32 $0x3, s11;
	v5 =	vbroadcast v61, $0xF  }
0x186: {  	v62 =	vmov s2;
	v63 =	vmov s7;
	v2 =	vbroadcast v2, $0xF  }
0x187: {  	vm13 =	veq.s32 v3, v0;
	v1 =	vbroadcast v1, $0xF;
	v3, _, _ =	vpop (xrf2);
	v4 =	vsel vm0, v5, v4  }
0x188: {  	vm14 =	veq.s32 v62, v0;
	v3 =	vbroadcast v3, $0xF;
	v2 =	vsel vm13, v2, v4  }
0x189: {  	vm15 =	veq.s32 v63, v0;
	v1 =	vsel vm14, v1, v2  }
0x18a: {  	v1 =	vsel vm15, v3, v1  }
0x18b: {  	v1 =	vsub.f32 $0.0e+00, v1;
	_ =	sdelay $0x1  }
0x18c: {  	v1 =	vmul.f32 $1.442695020e+00, v1;
	_ =	sdelay $0x1  }
0x18d: {  	(erf) = vpow2.f32 v1;
	_ =	sdelay $0x8  }
0x18e: {  	v1 =	vpop (erf)  }
0x18f: {  	v1 =	vadd.f32 $1.000000000e+00, v1;
	_ =	sdelay $0x1  }
0x190: {  	(erf) = vrcp.f32 v1;
	_ =	sdelay $0x3  }
0x191: {  	s16 =	sadd.s32 $0x1, s16  }
0x192: {  	p0 =	sne.s32 s16, $0xD  }
.Ltmp3:
0x193: {  	_ = 	snop;
	(pc) =	sbr.rel @p0 .LBB2_7-.Ltmp3, $3  }
0x194: {  	_ =	sdelay $0x1  }
0x195: {  	v1 =	vpop (erf)  }
0x196: {  	s15 =	sadd.s32 $0x2000, s15;
	[tilespmem:s18+$0x1E7D0] =	vst v1  }
0x197: {  	s0 =	sadd.s32 $0x1, s0  }
0x198: {  	p0 =	sne.s32 s0, $0x19  }
.Ltmp4:
0x199: {  	_ = 	snop;
	(pc) =	sbr.rel @p0 .LBB2_2-.Ltmp4, $4  }
0x19a: {  	s2 =	sadd.s32 s4, s13  }
0x19b: {  	s2 =	sshrl.u32 s2, $0x3  }
0x19c: {  	s2 =	sadd.s32 s3, s2  }
0x19d: {  	[hbm4b:s2+s5] =	stream.linear.scatter [tilespmem:s29], [sflag:$0x6], $0xC8, $0x38;
	[tilespmem:$0x1E900] =	vst v63  }
0x19e: {  	s0 =	simm.s32 $0x5  }
0x19f: {  	_ =	swait.ge [sflag:s0], $0xC8  }
0x1a0: {  	[sflag:s0] =	ssyncset.done $0x0  }
0x1a1: {  	s2 =	simm.s32 $0x6;
	[sflag:s0] =	ssyncadd.s32 $0xFFFFFF38  }
0x1a2: {  	_ =	swait.ge [sflag:s2], $0xC8  }
0x1a3: {  	s7 =	rddreg [dreg:$0x7]  }
0x1a4: {  	s31 =	rddreg [dreg:$0x6];
	s7 =	sadd.s32 $0x1, s7  }
0x1a5: {  	p0 =	sne.s32 s7, s31  }
.Ltmp5:
0x1a6: {  	_ = 	snop;
	(pc) =	sbr.rel @p0 .LBB2_1-.Ltmp5, $3  }
0x1a7: {  	_ =	sdelay $0x1  }
0x1a8: {  	[sflag:s2] =	ssyncset.done $0x0  }
0x1a9: {  	[sflag:s2] =	ssyncadd.s32 $0xFFFFFF38  }
0x1aa: {  	_ =	sfence.sel $0x180000  }
0x1ab: {  	[bflag:$0x0] =	sbarrier.arrive $0xFFFF  }
0x1ac: {  	_ =	strace $0x90000047  }
0x1ad: {  	s0 =	stileid.u32;
	[bflag:$0x2] =	sbarrier.arrive $0xFFFF  }
0x1ae: {  	p0 =	sne.s32 s0, $0x0;
	s0 =	rddreg [dreg:$0x3]  }
0x1af: {  	s0 =	sadd.s32 @!p0 $0x100000, s0  }
0x1b0: {  	[sflag:s0] =	ssyncadd.tile.s32 @!p0 $0x1;
	_ =	shalt  }
.Lfunc_end2:
_tile_overlayer_lowered:
.L_overlay_start_2:
0x1b1: {  	(tag) =	ssettag $0x2  }
0x1b2: {  	s0 =	rddreg [dreg:$0x0];
	s2 =	stileid.u32  }
0x1b3: {  	s1 =	rddreg [dreg:$0x1];
	p0 =	sne.s32 s2, $0x0  }
0x1b4: {  	s3 =	rddreg [dreg:$0x2];
	[bflag:$0x3] =	sbarrier.arrive $0xFFFF;
	s2 =	simm.s32 @!p0 $0x1C07  }
0x1b5: {  	[timem:s3], [sflag:s2] =	dma.local @!p0 [hbm:s0], s1  }
0x1b6: {  	s0 =	simm.s32 @!p0 $0x7  }
0x1b7: {  	_ =	swait.ge @!p0 [sflag:s0], s1  }
0x1b8: {  	s1 =	ssub.s32 @!p0 $0x0, s1;
	[sflag:s0] =	ssyncset.done @!p0 $0x0  }
0x1b9: {  	[sflag:s0] =	ssyncadd.s32 @!p0 s1  }
0x1ba: {  	[bflag:$0x3] =	sbarrier.arrive $0xFFFF  }
0x1bb: {  	_ =	shalt  }

</sc_bundles>
